<compile_context>
chip_gen: v7x
topology: tpu7x:2x2x1
jax: 0.10.2.dev20260603
libtpu: 0.0.44.dev20260713+nightly
codegen_flags: <defaults>
</compile_context>

<pallas_src>
import functools

import jax
import jax.numpy as jnp
from jax import lax
from jax.experimental import pallas as pl
from jax.experimental.pallas import tpu as pltpu
from jax.experimental.pallas import tpu_sc as plsc

_N, _D, _K = 16384, 256, 8192
_BN = 256
_LW = 256
_NCH = _K // _LW
_GW = 128


def _argmin_body(x_ref, embt2f_ref, embt2_ref, out_ref, e2_ref, d2_ref):
    @pl.when(pl.program_id(0) == 0)
    def _():
        et = embt2f_ref[...]
        e2_ref[...] = jnp.sum(et * et, axis=0, keepdims=True) * 0.25

    x = x_ref[...]
    x2 = jnp.sum(x * x, axis=1, keepdims=True)
    x2b = x2

    for c in range(_NCH):
        sl = slice(c * _LW, (c + 1) * _LW)
        s2 = lax.dot_general(
            x, embt2_ref[:, sl], (((1,), (0,)), ((), ())),
            preferred_element_type=jnp.float32,
            precision=lax.Precision.DEFAULT)
        d2_ref[:, sl] = (x2b + e2_ref[:, sl]) + s2
    m = jnp.min(d2_ref[...], axis=1, keepdims=True)

    mm = jnp.maximum(m, 0.0)
    s0 = jnp.sqrt(mm)
    mi = lax.bitcast_convert_type(mm, jnp.int32)
    bound = mm
    for i in range(1, 9):
        z = lax.bitcast_convert_type(mi + i, jnp.float32)
        bound = jnp.where(jnp.sqrt(jnp.maximum(z, 0.0)) == s0, z, bound)

    giota = lax.broadcasted_iota(
        jnp.int32, (_BN, _K), 1).astype(jnp.float32)
    idx = jnp.min(
        jnp.where(d2_ref[...] <= bound, giota, float(_K)), axis=1)
    out_ref[...] = idx.astype(jnp.int32).reshape(_BN, 1)


def _tc_argmin(x, embt2f, embt2):
    return pl.pallas_call(
        _argmin_body,
        grid=(_N // _BN,),
        in_specs=[
            pl.BlockSpec((_BN, _D), lambda i: (i, 0)),
            pl.BlockSpec((_D, _K), lambda i: (0, 0)),
            pl.BlockSpec((_D, _K), lambda i: (0, 0)),
        ],
        out_specs=pl.BlockSpec((_BN, 1), lambda i: (i, 0)),
        out_shape=jax.ShapeDtypeStruct((_N, 1), jnp.int32),
        scratch_shapes=[
            pltpu.VMEM((1, _K), jnp.float32),
            pltpu.VMEM((_BN, _K), jnp.float32),
        ],
        compiler_params=pltpu.CompilerParams(
            dimension_semantics=("arbitrary",)),
    )(x, embt2f, embt2)


def _sc_gather(emb, idx2d):
    n = idx2d.shape[1]
    mesh = plsc.VectorSubcoreMesh(
        core_axis_name="core", subcore_axis_name="subcore")

    @functools.partial(
        pl.kernel,
        out_type=jax.ShapeDtypeStruct((n, _D), jnp.float32),
        mesh=mesh)
    def k(emb_hbm, i_hbm, o_hbm):
        def body(i_vmem, o_vmem):
            pltpu.sync_copy(emb_hbm.at[i_vmem.at[0]], o_vmem)

        pltpu.emit_pipeline(
            body,
            grid=(n // _GW,),
            in_specs=[pl.BlockSpec((1, _GW), index_map=lambda i: (0, i))],
            out_specs=[pl.BlockSpec((_GW, _D), index_map=lambda i: (i, 0))],
            core_axis_name=("core", "subcore"),
            dimension_semantics=(pltpu.PARALLEL,),
        )(i_hbm, o_hbm)

    return k(emb, idx2d)


def kernel(x, emb):
    embt2f = emb.T * (-2.0)
    embt2 = embt2f.astype(jnp.bfloat16)
    idx = _tc_argmin(x, embt2f, embt2)
    return _sc_gather(emb, idx.reshape(1, _N))

# --- scband reference (transcript-rebuilt; emitter-appended) ---
"""Pipeline reference for scband-strategy-quantizer-64647847739782 (READ-ONLY COPY).

The authoritative reference and input builder live on the scoring server;
editing this copy changes nothing except your own understanding.
"""

import jax, jax.numpy as jnp
import numpy as np


def setup_inputs(seed: int = 0) -> dict:
    key = jax.random.key(seed)
    kx, ke = jax.random.split(key)
    x = jax.random.normal(kx, (16384, 256), dtype=jnp.float32)
    # learned parameter: embedding table, init per args.coach_embedding_init == 'normal'
    emb = jax.random.normal(ke, (8192, 256), dtype=jnp.float32)
    return {"x": x, "emb": emb}


def reference(x, emb):
    # torch.cdist(x, emb) with p=2, computed via the expanded quadratic form
    x2 = jnp.sum(x * x, axis=-1, keepdims=True)            # [N, 1]
    e2 = jnp.sum(emb * emb, axis=-1)[None, :]              # [1, K]
    d2 = x2 + e2 - 2.0 * (x @ emb.T)                       # [N, K]
    distances = jnp.sqrt(jnp.maximum(d2, 0.0))
    indices = jnp.argmin(distances, axis=-1)               # [N]
    # self.embeddings(indices) -> gather rows of the codebook
    return jnp.take(emb, indices, axis=0)                  # [N, D]

if __name__ == "__main__":
    import jax
    _d = setup_inputs()
    print(jax.jit(kernel)(*tuple(_d.values())))

</pallas_src>

<mosaic_0001>
#map = affine_map<(d0, d1) -> (0, 0)>
module attributes {stable_mosaic.version = 14 : i64} {
  func.func @k(%arg0: i32, %arg1: i32, %arg2: memref<8192x256xf32, #tpu.memory_space<hbm>>, %arg3: memref<1x16384xi32, #tpu.memory_space<hbm>>, %arg4: memref<16384x256xf32, #tpu.memory_space<hbm>>) attributes {dimension_semantics = [#tpu.dimension_semantics<core_parallel>, #tpu.dimension_semantics<subcore_parallel>], iteration_bounds = array<i64: 2, 16>, scalar_prefetch = 0 : i64, scratch_operands = 0 : i64, tpu.core_type = #tpu.core_type<sc_vector_subcore>, window_params = [{transform_indices = #map}, {transform_indices = #map}, {transform_indices = #map}]} {
    %mul3A = arith.constant 1 : i32
    %mul3A_0 = arith.muli %arg1, %mul3A : i32
    %add3A = arith.constant 0 : i32
    %add3A_1 = arith.addi %add3A, %mul3A_0 : i32
    %mul3A_2 = arith.constant 16 : i32
    %mul3A_3 = arith.muli %arg0, %mul3A_2 : i32
    %add3A_4 = arith.addi %add3A_1, %mul3A_3 : i32
    %mul3A_5 = arith.constant 4 : i32
    %mul3A_6 = arith.muli %add3A_4, %mul3A_5 : i32
    "tpu.region"() ({
      %run_scoped3A = memref.alloca() : memref<2x1x128xi32, #tpu.memory_space<vmem>>
      %run_scoped3A_7 = tpu.sem_alloc : memref<2x!tpu.dma_semaphore, #tpu.memory_space<semaphore_mem>>
      %run_scoped3A_8 = memref.alloca() : memref<2x128x256xf32, #tpu.memory_space<vmem>>
      %run_scoped3A_9 = tpu.sem_alloc : memref<2x!tpu.dma_semaphore, #tpu.memory_space<semaphore_mem>>
      %add3A_10 = arith.constant 0 : i32
      %add3A_11 = arith.addi %add3A_10, %mul3A_6 : i32
      %select_n3A = arith.constant true
      %select_n3A_12 = arith.constant 0 : i32
      %select_n3A_13 = arith.constant -1 : i32
      %select_n3A_14 = arith.select %select_n3A, %select_n3A_13, %select_n3A_12 : i32
      %eq3A = arith.constant -1 : i32
      %eq3A_15 = arith.cmpi eq, %select_n3A_14, %eq3A : i32
      %select_n3A_16 = arith.constant 3 : i32
      %select_n3A_17 = arith.select %eq3A_15, %select_n3A_16, %select_n3A_14 : i32
      %add3A_18 = arith.addi %select_n3A_17, %mul3A_6 : i32
      %select_n3A_19 = arith.constant true
      %select_n3A_20 = arith.constant 0 : i32
      %select_n3A_21 = arith.constant 1 : i32
      %select_n3A_22 = arith.select %select_n3A_19, %select_n3A_21, %select_n3A_20 : i32
      %eq3A_23 = arith.constant 4 : i32
      %eq3A_24 = arith.cmpi eq, %select_n3A_22, %eq3A_23 : i32
      %select_n3A_25 = arith.constant 0 : i32
      %select_n3A_26 = arith.select %eq3A_24, %select_n3A_25, %select_n3A_22 : i32
      %add3A_27 = arith.addi %select_n3A_26, %mul3A_6 : i32
      %add3A_28 = arith.constant 1 : i32
      %add3A_29 = arith.addi %select_n3A_26, %add3A_28 : i32
      %select_n3A_30 = arith.constant true
      %select_n3A_31 = arith.select %select_n3A_30, %add3A_29, %select_n3A_26 : i32
      %eq3A_32 = arith.constant 4 : i32
      %eq3A_33 = arith.cmpi eq, %select_n3A_31, %eq3A_32 : i32
      %select_n3A_34 = arith.constant 0 : i32
      %select_n3A_35 = arith.select %eq3A_33, %select_n3A_34, %select_n3A_31 : i32
      %add3A_36 = arith.addi %select_n3A_35, %mul3A_6 : i32
      "tpu.trace_start"() <{level = 10 : i32, message = "ep_initialize_0"}> : () -> ()
      %rem3A = arith.constant 0 : i32
      %rem3A_37 = arith.constant 2 : i32
      %rem3A_38 = arith.remui %rem3A, %rem3A_37 : i32
      %mul3A_39 = arith.constant 128 : i32
      %mul3A_40 = arith.muli %mul3A_39, %add3A_11 : i32
      %dma_start3A = arith.constant 0 : i32
      %dma_start3A_41 = arith.constant 0 : i32
      %dma_start3A_42 = tpu.memref_slice %run_scoped3A[%rem3A_38, %dma_start3A, %dma_start3A_41] : memref<2x1x128xi32, #tpu.memory_space<vmem>> -> memref<1x1x128xi32, #tpu.memory_space<vmem>>
      %dma_start3A_43 = tpu.memref_squeeze %dma_start3A_42 : memref<1x1x128xi32, #tpu.memory_space<vmem>> -> memref<1x128xi32, #tpu.memory_space<vmem>>
      %dma_start3A_44 = arith.constant 0 : i32
      %dma_start3A_45 = tpu.memref_slice %arg3[%dma_start3A_44, %mul3A_40] : memref<1x16384xi32, #tpu.memory_space<hbm>> -> memref<1x128xi32, #tpu.memory_space<hbm>>
      %dma_start3A_46 = tpu.memref_slice %run_scoped3A_7[%rem3A_38] : memref<2x!tpu.dma_semaphore, #tpu.memory_space<semaphore_mem>> -> memref<1x!tpu.dma_semaphore, #tpu.memory_space<semaphore_mem>>
      %dma_start3A_47 = tpu.memref_squeeze %dma_start3A_46 : memref<1x!tpu.dma_semaphore, #tpu.memory_space<semaphore_mem>> -> memref<!tpu.dma_semaphore, #tpu.memory_space<semaphore_mem>>
      %dma_start3A_48 = arith.constant 0 : i32
      %dma_start3A_49 = arith.constant 0 : i32
      %dma_start3A_50 = tpu.memref_slice %run_scoped3A[%rem3A_38, %dma_start3A_48, %dma_start3A_49] : memref<2x1x128xi32, #tpu.memory_space<vmem>> -> memref<1x1x128xi32, #tpu.memory_space<vmem>>
      %dma_start3A_51 = tpu.memref_squeeze %dma_start3A_50 : memref<1x1x128xi32, #tpu.memory_space<vmem>> -> memref<1x128xi32, #tpu.memory_space<vmem>>
      %dma_start3A_52 = arith.constant 0 : i32
      %dma_start3A_53 = tpu.memref_slice %arg3[%dma_start3A_52, %mul3A_40] : memref<1x16384xi32, #tpu.memory_space<hbm>> -> memref<1x128xi32, #tpu.memory_space<hbm>>
      tpu.enqueue_dma source(%dma_start3A_53 : memref<1x128xi32, #tpu.memory_space<hbm>>) target(%dma_start3A_51 : memref<1x128xi32, #tpu.memory_space<vmem>>) target_semaphore(%dma_start3A_47 : memref<!tpu.dma_semaphore, #tpu.memory_space<semaphore_mem>>)
      %add3A_54 = arith.constant 0 : i32
      %add3A_55 = arith.constant 1 : i32
      %add3A_56 = arith.addi %add3A_54, %add3A_55 : i32
      %select_n3A_57 = arith.constant true
      %select_n3A_58 = arith.constant 0 : i32
      %select_n3A_59 = arith.select %select_n3A_57, %add3A_56, %select_n3A_58 : i32
      "tpu.trace_stop"() : () -> ()
      %scan3A = arith.constant 0 : i32
      %scan3A_60 = arith.constant 0 : i32
      %scan3A_61 = arith.constant 0 : i32
      %scan3A_62 = arith.constant 0 : i32
      %scan3A_63 = arith.constant 0 : i32
      %scan3A_64 = arith.constant 4 : i32
      %scan3A_65 = arith.addi %scan3A_63, %scan3A_64 : i32
      %scan3A_66 = arith.constant 1 : i32
      %scan3A_67:5 = scf.for %scan3A_121 = %scan3A_63 to %scan3A_65 step %scan3A_66 iter_args(%scan3A_122 = %select_n3A_59, %scan3A_123 = %scan3A, %scan3A_124 = %scan3A_60, %scan3A_125 = %scan3A_61, %scan3A_126 = %scan3A_62) -> (i32, i32, i32, i32, i32)  : i32 {
        %eq3A_127 = arith.constant 0 : i32
        %eq3A_128 = arith.cmpi eq, %scan3A_121, %eq3A_127 : i32
        %eq3A_129 = arith.constant 3 : i32
        %eq3A_130 = arith.cmpi eq, %scan3A_121, %eq3A_129 : i32
        %add3A_131 = arith.addi %scan3A_126, %mul3A_6 : i32
        %sub3A_132 = arith.constant 1 : i32
        %sub3A_133 = arith.subi %scan3A_126, %sub3A_132 : i32
        %select_n3A_134 = arith.constant true
        %select_n3A_135 = arith.select %select_n3A_134, %sub3A_133, %scan3A_126 : i32
        %eq3A_136 = arith.constant -1 : i32
        %eq3A_137 = arith.cmpi eq, %select_n3A_135, %eq3A_136 : i32
        %select_n3A_138 = arith.constant 3 : i32
        %select_n3A_139 = arith.select %eq3A_137, %select_n3A_138, %select_n3A_135 : i32
        %add3A_140 = arith.addi %select_n3A_139, %mul3A_6 : i32
        %add3A_141 = arith.constant 1 : i32
        %add3A_142 = arith.addi %scan3A_126, %add3A_141 : i32
        %select_n3A_143 = arith.constant true
        %select_n3A_144 = arith.select %select_n3A_143, %add3A_142, %scan3A_126 : i32
        %eq3A_145 = arith.constant 4 : i32
        %eq3A_146 = arith.cmpi eq, %select_n3A_144, %eq3A_145 : i32
        %select_n3A_147 = arith.constant 0 : i32
        %select_n3A_148 = arith.select %eq3A_146, %select_n3A_147, %select_n3A_144 : i32
        %add3A_149 = arith.addi %select_n3A_148, %mul3A_6 : i32
        %add3A_150 = arith.constant 1 : i32
        %add3A_151 = arith.addi %select_n3A_148, %add3A_150 : i32
        %select_n3A_152 = arith.constant true
        %select_n3A_153 = arith.select %select_n3A_152, %add3A_151, %select_n3A_148 : i32
        %eq3A_154 = arith.constant 4 : i32
        %eq3A_155 = arith.cmpi eq, %select_n3A_153, %eq3A_154 : i32
        %select_n3A_156 = arith.constant 0 : i32
        %select_n3A_157 = arith.select %eq3A_155, %select_n3A_156, %select_n3A_153 : i32
        %add3A_158 = arith.addi %select_n3A_157, %mul3A_6 : i32
        %ne3A = arith.cmpi ne, %add3A_131, %add3A_149 : i32
        %or3A = arith.constant false
        %or3A_159 = arith.ori %or3A, %ne3A : i1
        %ge3A = arith.constant 3 : i32
        %ge3A_160 = arith.cmpi sge, %scan3A_121, %ge3A : i32
        %not3A = arith.constant true
        %not3A_161 = arith.xori %ge3A_160, %not3A : i1
        %and3A = arith.andi %or3A_159, %not3A_161 : i1
        %convert_element_type3A = arith.extui %and3A : i1 to i32
        %cond3A = arith.constant 0 : i32
        %cond3A_162 = arith.cmpi ne, %convert_element_type3A, %cond3A : i32
        scf.if %cond3A_162 {
          "tpu.trace_start"() <{level = 10 : i32, message = "ep_copy_in"}> : () -> ()
          %rem3A_264 = arith.constant 2 : i32
          %rem3A_265 = arith.remui %scan3A_122, %rem3A_264 : i32
          %mul3A_266 = arith.constant 128 : i32
          %mul3A_267 = arith.muli %mul3A_266, %add3A_149 : i32
          %dma_start3A_268 = arith.constant 0 : i32
          %dma_start3A_269 = arith.constant 0 : i32
          %dma_start3A_270 = tpu.memref_slice %run_scoped3A[%rem3A_265, %dma_start3A_268, %dma_start3A_269] : memref<2x1x128xi32, #tpu.memory_space<vmem>> -> memref<1x1x128xi32, #tpu.memory_space<vmem>>
          %dma_start3A_271 = tpu.memref_squeeze %dma_start3A_270 : memref<1x1x128xi32, #tpu.memory_space<vmem>> -> memref<1x128xi32, #tpu.memory_space<vmem>>
          %dma_start3A_272 = arith.constant 0 : i32
          %dma_start3A_273 = tpu.memref_slice %arg3[%dma_start3A_272, %mul3A_267] : memref<1x16384xi32, #tpu.memory_space<hbm>> -> memref<1x128xi32, #tpu.memory_space<hbm>>
          %dma_start3A_274 = tpu.memref_slice %run_scoped3A_7[%rem3A_265] : memref<2x!tpu.dma_semaphore, #tpu.memory_space<semaphore_mem>> -> memref<1x!tpu.dma_semaphore, #tpu.memory_space<semaphore_mem>>
          %dma_start3A_275 = tpu.memref_squeeze %dma_start3A_274 : memref<1x!tpu.dma_semaphore, #tpu.memory_space<semaphore_mem>> -> memref<!tpu.dma_semaphore, #tpu.memory_space<semaphore_mem>>
          %dma_start3A_276 = arith.constant 0 : i32
          %dma_start3A_277 = arith.constant 0 : i32
          %dma_start3A_278 = tpu.memref_slice %run_scoped3A[%rem3A_265, %dma_start3A_276, %dma_start3A_277] : memref<2x1x128xi32, #tpu.memory_space<vmem>> -> memref<1x1x128xi32, #tpu.memory_space<vmem>>
          %dma_start3A_279 = tpu.memref_squeeze %dma_start3A_278 : memref<1x1x128xi32, #tpu.memory_space<vmem>> -> memref<1x128xi32, #tpu.memory_space<vmem>>
          %dma_start3A_280 = arith.constant 0 : i32
          %dma_start3A_281 = tpu.memref_slice %arg3[%dma_start3A_280, %mul3A_267] : memref<1x16384xi32, #tpu.memory_space<hbm>> -> memref<1x128xi32, #tpu.memory_space<hbm>>
          tpu.enqueue_dma source(%dma_start3A_281 : memref<1x128xi32, #tpu.memory_space<hbm>>) target(%dma_start3A_279 : memref<1x128xi32, #tpu.memory_space<vmem>>) target_semaphore(%dma_start3A_275 : memref<!tpu.dma_semaphore, #tpu.memory_space<semaphore_mem>>)
          "tpu.trace_stop"() : () -> ()
        } else {
        }
        %and3A_163 = arith.constant true
        %and3A_164 = arith.andi %and3A, %and3A_163 : i1
        %add3A_165 = arith.constant 1 : i32
        %add3A_166 = arith.addi %scan3A_122, %add3A_165 : i32
        %select_n3A_167 = arith.select %and3A_164, %add3A_166, %scan3A_122 : i32
        %ne3A_168 = arith.cmpi ne, %add3A_131, %add3A_149 : i32
        %or3A_169 = arith.constant false
        %or3A_170 = arith.ori %or3A_169, %ne3A_168 : i1
        %or3A_171 = arith.constant false
        %or3A_172 = arith.ori %or3A_170, %or3A_171 : i1
        %ge3A_173 = arith.constant 3 : i32
        %ge3A_174 = arith.cmpi sge, %scan3A_121, %ge3A_173 : i32
        %not3A_175 = arith.constant true
        %not3A_176 = arith.xori %ge3A_174, %not3A_175 : i1
        %and3A_177 = arith.andi %or3A_172, %not3A_176 : i1
        %ne3A_178 = arith.cmpi ne, %add3A_131, %add3A_140 : i32
        %or3A_179 = arith.constant false
        %or3A_180 = arith.ori %or3A_179, %ne3A_178 : i1
        %or3A_181 = arith.ori %or3A_180, %eq3A_128 : i1
        %convert_element_type3A_182 = arith.extui %or3A_181 : i1 to i32
        %cond3A_183 = arith.constant 0 : i32
        %cond3A_184 = arith.cmpi ne, %convert_element_type3A_182, %cond3A_183 : i32
        scf.if %cond3A_184 {
          "tpu.trace_start"() <{level = 10 : i32, message = "ep_wait_in"}> : () -> ()
          %mul3A_264 = arith.constant 128 : i32
          %mul3A_265 = arith.muli %mul3A_264, %add3A_131 : i32
          %rem3A_266 = arith.constant 2 : i32
          %rem3A_267 = arith.remui %scan3A_123, %rem3A_266 : i32
          %dma_wait3A_268 = arith.constant 0 : i32
          %dma_wait3A_269 = arith.constant 0 : i32
          %dma_wait3A_270 = tpu.memref_slice %run_scoped3A[%rem3A_267, %dma_wait3A_268, %dma_wait3A_269] : memref<2x1x128xi32, #tpu.memory_space<vmem>> -> memref<1x1x128xi32, #tpu.memory_space<vmem>>
          %dma_wait3A_271 = tpu.memref_squeeze %dma_wait3A_270 : memref<1x1x128xi32, #tpu.memory_space<vmem>> -> memref<1x128xi32, #tpu.memory_space<vmem>>
          %dma_wait3A_272 = arith.constant 0 : i32
          %dma_wait3A_273 = tpu.memref_slice %arg3[%dma_wait3A_272, %mul3A_265] : memref<1x16384xi32, #tpu.memory_space<hbm>> -> memref<1x128xi32, #tpu.memory_space<hbm>>
          %dma_wait3A_274 = tpu.memref_slice %run_scoped3A_7[%rem3A_267] : memref<2x!tpu.dma_semaphore, #tpu.memory_space<semaphore_mem>> -> memref<1x!tpu.dma_semaphore, #tpu.memory_space<semaphore_mem>>
          %dma_wait3A_275 = tpu.memref_squeeze %dma_wait3A_274 : memref<1x!tpu.dma_semaphore, #tpu.memory_space<semaphore_mem>> -> memref<!tpu.dma_semaphore, #tpu.memory_space<semaphore_mem>>
          %dma_wait3A_276 = arith.constant 0 : i32
          %dma_wait3A_277 = arith.constant 0 : i32
          %dma_wait3A_278 = tpu.memref_slice %run_scoped3A[%rem3A_267, %dma_wait3A_276, %dma_wait3A_277] : memref<2x1x128xi32, #tpu.memory_space<vmem>> -> memref<1x1x128xi32, #tpu.memory_space<vmem>>
          %dma_wait3A_279 = tpu.memref_squeeze %dma_wait3A_278 : memref<1x1x128xi32, #tpu.memory_space<vmem>> -> memref<1x128xi32, #tpu.memory_space<vmem>>
          %dma_wait3A_280 = arith.constant 0 : i32
          %dma_wait3A_281 = tpu.memref_slice %arg3[%dma_wait3A_280, %mul3A_265] : memref<1x16384xi32, #tpu.memory_space<hbm>> -> memref<1x128xi32, #tpu.memory_space<hbm>>
          tpu.wait_dma2 semaphore(%dma_wait3A_275 : memref<!tpu.dma_semaphore, #tpu.memory_space<semaphore_mem>>) src(%dma_wait3A_281 : memref<1x128xi32, #tpu.memory_space<hbm>>) dst(%dma_wait3A_279 : memref<1x128xi32, #tpu.memory_space<vmem>>)
          "tpu.trace_stop"() : () -> ()
        } else {
        }
        %ne3A_185 = arith.cmpi ne, %add3A_131, %add3A_140 : i32
        %or3A_186 = arith.constant false
        %or3A_187 = arith.ori %or3A_186, %ne3A_185 : i1
        %or3A_188 = arith.constant false
        %or3A_189 = arith.ori %or3A_187, %or3A_188 : i1
        %or3A_190 = arith.ori %or3A_189, %eq3A_128 : i1
        %convert_element_type3A_191 = arith.extui %or3A_190 : i1 to i32
        %cond3A_192 = arith.constant 0 : i32
        %cond3A_193 = arith.cmpi ne, %convert_element_type3A_191, %cond3A_192 : i32
        scf.if %cond3A_193 {
        } else {
        }
        %rem3A_194 = arith.constant 2 : i32
        %rem3A_195 = arith.remui %scan3A_123, %rem3A_194 : i32
        %rem3A_196 = arith.constant 2 : i32
        %rem3A_197 = arith.remui %scan3A_124, %rem3A_196 : i32
        %run_scoped3A_198 = arith.constant 0 : i32
        "tpu.trace_start"() <{level = 10 : i32, message = "ep_run_kernel"}> : () -> ()
        "tpu.region"() ({
          %run_scoped3A_264 = tpu.sem_alloc : memref<!tpu.dma_semaphore, #tpu.memory_space<semaphore_mem>>
          %dma_start3A_265 = arith.constant 0 : i32
          %dma_start3A_266 = arith.constant 0 : i32
          %dma_start3A_267 = tpu.memref_slice %run_scoped3A_8[%rem3A_197, %dma_start3A_265, %dma_start3A_266] : memref<2x128x256xf32, #tpu.memory_space<vmem>> -> memref<1x128x256xf32, #tpu.memory_space<vmem>>
          %dma_start3A_268 = tpu.memref_squeeze %dma_start3A_267 : memref<1x128x256xf32, #tpu.memory_space<vmem>> -> memref<128x256xf32, #tpu.memory_space<vmem>>
          %dma_start3A_269 = arith.constant 0 : i32
          %dma_start3A_270 = arith.constant 0 : i32
          %dma_start3A_271 = tpu.memref_slice %run_scoped3A[%rem3A_195, %dma_start3A_269, %dma_start3A_270] : memref<2x1x128xi32, #tpu.memory_space<vmem>> -> memref<1x1x128xi32, #tpu.memory_space<vmem>>
          %dma_start3A_272 = tpu.memref_squeeze %dma_start3A_271 : memref<1x1x128xi32, #tpu.memory_space<vmem>> -> memref<1x128xi32, #tpu.memory_space<vmem>>
          %dma_start3A_273 = arith.constant 0 : i32
          %dma_start3A_274 = tpu.memref_slice %dma_start3A_272[%run_scoped3A_198, %dma_start3A_273] : memref<1x128xi32, #tpu.memory_space<vmem>> -> memref<1x128xi32, #tpu.memory_space<vmem>>
          %dma_start3A_275 = tpu.memref_squeeze %dma_start3A_274 : memref<1x128xi32, #tpu.memory_space<vmem>> -> memref<128xi32, #tpu.memory_space<vmem>>
          %dma_start3A_276 = arith.constant 0 : i32
          %dma_start3A_277 = arith.constant 0 : i32
          %dma_start3A_278 = tpu.memref_slice %arg2[%dma_start3A_276, %dma_start3A_277] : memref<8192x256xf32, #tpu.memory_space<hbm>> -> memref<8192x256xf32, #tpu.memory_space<hbm>>
          tpu.enqueue_indirect_dma source(%dma_start3A_278 : memref<8192x256xf32, #tpu.memory_space<hbm>>) target(%dma_start3A_268 : memref<128x256xf32, #tpu.memory_space<vmem>>) offsets(%dma_start3A_275 : memref<128xi32, #tpu.memory_space<vmem>>) semaphore(%run_scoped3A_264 : memref<!tpu.dma_semaphore, #tpu.memory_space<semaphore_mem>>)
          %dma_wait3A_279 = arith.constant 0 : i32
          %dma_wait3A_280 = arith.constant 0 : i32
          %dma_wait3A_281 = tpu.memref_slice %run_scoped3A_8[%rem3A_197, %dma_wait3A_279, %dma_wait3A_280] : memref<2x128x256xf32, #tpu.memory_space<vmem>> -> memref<1x128x256xf32, #tpu.memory_space<vmem>>
          %dma_wait3A_282 = tpu.memref_squeeze %dma_wait3A_281 : memref<1x128x256xf32, #tpu.memory_space<vmem>> -> memref<128x256xf32, #tpu.memory_space<vmem>>
          %dma_wait3A_283 = arith.constant 0 : i32
          %dma_wait3A_284 = arith.constant 0 : i32
          %dma_wait3A_285 = tpu.memref_slice %run_scoped3A[%rem3A_195, %dma_wait3A_283, %dma_wait3A_284] : memref<2x1x128xi32, #tpu.memory_space<vmem>> -> memref<1x1x128xi32, #tpu.memory_space<vmem>>
          %dma_wait3A_286 = tpu.memref_squeeze %dma_wait3A_285 : memref<1x1x128xi32, #tpu.memory_space<vmem>> -> memref<1x128xi32, #tpu.memory_space<vmem>>
          %dma_wait3A_287 = arith.constant 0 : i32
          %dma_wait3A_288 = tpu.memref_slice %dma_wait3A_286[%run_scoped3A_198, %dma_wait3A_287] : memref<1x128xi32, #tpu.memory_space<vmem>> -> memref<1x128xi32, #tpu.memory_space<vmem>>
          %dma_wait3A_289 = tpu.memref_squeeze %dma_wait3A_288 : memref<1x128xi32, #tpu.memory_space<vmem>> -> memref<128xi32, #tpu.memory_space<vmem>>
          %dma_wait3A_290 = arith.constant 0 : i32
          %dma_wait3A_291 = arith.constant 0 : i32
          %dma_wait3A_292 = tpu.memref_slice %arg2[%dma_wait3A_290, %dma_wait3A_291] : memref<8192x256xf32, #tpu.memory_space<hbm>> -> memref<8192x256xf32, #tpu.memory_space<hbm>>
          tpu.wait_indirect_dma semaphore(%run_scoped3A_264 : memref<!tpu.dma_semaphore, #tpu.memory_space<semaphore_mem>>) src(%dma_wait3A_292 : memref<8192x256xf32, #tpu.memory_space<hbm>>) dst(%dma_wait3A_282 : memref<128x256xf32, #tpu.memory_space<vmem>>)
          tpu.yield
        }) : () -> ()
        "tpu.trace_stop"() : () -> ()
        %ne3A_199 = arith.cmpi ne, %add3A_131, %add3A_149 : i32
        %or3A_200 = arith.constant false
        %or3A_201 = arith.ori %or3A_200, %ne3A_199 : i1
        %or3A_202 = arith.ori %or3A_201, %eq3A_130 : i1
        %convert_element_type3A_203 = arith.extui %or3A_202 : i1 to i32
        %cond3A_204 = arith.constant 0 : i32
        %cond3A_205 = arith.cmpi ne, %convert_element_type3A_203, %cond3A_204 : i32
        scf.if %cond3A_205 {
        } else {
        }
        %and3A_206 = arith.constant false
        %and3A_207 = arith.andi %or3A_202, %and3A_206 : i1
        %ne3A_208 = arith.cmpi ne, %add3A_131, %add3A_149 : i32
        %or3A_209 = arith.constant false
        %or3A_210 = arith.ori %or3A_209, %ne3A_208 : i1
        %or3A_211 = arith.constant false
        %or3A_212 = arith.ori %or3A_210, %or3A_211 : i1
        %or3A_213 = arith.ori %or3A_212, %eq3A_130 : i1
        %convert_element_type3A_214 = arith.extui %or3A_213 : i1 to i32
        %cond3A_215 = arith.constant 0 : i32
        %cond3A_216 = arith.cmpi ne, %convert_element_type3A_214, %cond3A_215 : i32
        scf.if %cond3A_216 {
          "tpu.trace_start"() <{level = 10 : i32, message = "ep_copy_out"}> : () -> ()
          %rem3A_264 = arith.constant 2 : i32
          %rem3A_265 = arith.remui %scan3A_124, %rem3A_264 : i32
          %mul3A_266 = arith.constant 128 : i32
          %mul3A_267 = arith.muli %mul3A_266, %add3A_131 : i32
          %dma_start3A_268 = arith.constant 0 : i32
          %dma_start3A_269 = arith.constant 0 : i32
          %dma_start3A_270 = tpu.memref_slice %run_scoped3A_8[%rem3A_265, %dma_start3A_268, %dma_start3A_269] : memref<2x128x256xf32, #tpu.memory_space<vmem>> -> memref<1x128x256xf32, #tpu.memory_space<vmem>>
          %dma_start3A_271 = tpu.memref_squeeze %dma_start3A_270 : memref<1x128x256xf32, #tpu.memory_space<vmem>> -> memref<128x256xf32, #tpu.memory_space<vmem>>
          %dma_start3A_272 = arith.constant 0 : i32
          %dma_start3A_273 = tpu.memref_slice %arg4[%mul3A_267, %dma_start3A_272] : memref<16384x256xf32, #tpu.memory_space<hbm>> -> memref<128x256xf32, #tpu.memory_space<hbm>>
          %dma_start3A_274 = tpu.memref_slice %run_scoped3A_9[%rem3A_265] : memref<2x!tpu.dma_semaphore, #tpu.memory_space<semaphore_mem>> -> memref<1x!tpu.dma_semaphore, #tpu.memory_space<semaphore_mem>>
          %dma_start3A_275 = tpu.memref_squeeze %dma_start3A_274 : memref<1x!tpu.dma_semaphore, #tpu.memory_space<semaphore_mem>> -> memref<!tpu.dma_semaphore, #tpu.memory_space<semaphore_mem>>
          %dma_start3A_276 = arith.constant 0 : i32
          %dma_start3A_277 = tpu.memref_slice %arg4[%mul3A_267, %dma_start3A_276] : memref<16384x256xf32, #tpu.memory_space<hbm>> -> memref<128x256xf32, #tpu.memory_space<hbm>>
          %dma_start3A_278 = arith.constant 0 : i32
          %dma_start3A_279 = arith.constant 0 : i32
          %dma_start3A_280 = tpu.memref_slice %run_scoped3A_8[%rem3A_265, %dma_start3A_278, %dma_start3A_279] : memref<2x128x256xf32, #tpu.memory_space<vmem>> -> memref<1x128x256xf32, #tpu.memory_space<vmem>>
          %dma_start3A_281 = tpu.memref_squeeze %dma_start3A_280 : memref<1x128x256xf32, #tpu.memory_space<vmem>> -> memref<128x256xf32, #tpu.memory_space<vmem>>
          tpu.enqueue_dma source(%dma_start3A_281 : memref<128x256xf32, #tpu.memory_space<vmem>>) target(%dma_start3A_277 : memref<128x256xf32, #tpu.memory_space<hbm>>) target_semaphore(%dma_start3A_275 : memref<!tpu.dma_semaphore, #tpu.memory_space<semaphore_mem>>)
          "tpu.trace_stop"() : () -> ()
        } else {
        }
        %and3A_217 = arith.constant true
        %and3A_218 = arith.andi %or3A_213, %and3A_217 : i1
        %add3A_219 = arith.constant 1 : i32
        %add3A_220 = arith.addi %scan3A_124, %add3A_219 : i32
        %select_n3A_221 = arith.select %and3A_218, %add3A_220, %scan3A_124 : i32
        %ne3A_222 = arith.cmpi ne, %add3A_131, %add3A_140 : i32
        %or3A_223 = arith.constant false
        %or3A_224 = arith.ori %or3A_223, %ne3A_222 : i1
        %not3A_225 = arith.constant true
        %not3A_226 = arith.xori %eq3A_128, %not3A_225 : i1
        %and3A_227 = arith.andi %or3A_224, %not3A_226 : i1
        %convert_element_type3A_228 = arith.extui %and3A_227 : i1 to i32
        %cond3A_229 = arith.constant 0 : i32
        %cond3A_230 = arith.cmpi ne, %convert_element_type3A_228, %cond3A_229 : i32
        scf.if %cond3A_230 {
        } else {
        }
        %and3A_231 = arith.constant false
        %and3A_232 = arith.andi %and3A_227, %and3A_231 : i1
        %ne3A_233 = arith.cmpi ne, %add3A_131, %add3A_140 : i32
        %or3A_234 = arith.constant false
        %or3A_235 = arith.ori %or3A_234, %ne3A_233 : i1
        %or3A_236 = arith.constant false
        %or3A_237 = arith.ori %or3A_235, %or3A_236 : i1
        %not3A_238 = arith.constant true
        %not3A_239 = arith.xori %eq3A_128, %not3A_238 : i1
        %and3A_240 = arith.andi %or3A_237, %not3A_239 : i1
        %convert_element_type3A_241 = arith.extui %and3A_240 : i1 to i32
        %cond3A_242 = arith.constant 0 : i32
        %cond3A_243 = arith.cmpi ne, %convert_element_type3A_241, %cond3A_242 : i32
        scf.if %cond3A_243 {
          "tpu.trace_start"() <{level = 10 : i32, message = "ep_wait_out"}> : () -> ()
          %rem3A_264 = arith.constant 2 : i32
          %rem3A_265 = arith.remui %scan3A_125, %rem3A_264 : i32
          %mul3A_266 = arith.constant 128 : i32
          %mul3A_267 = arith.muli %mul3A_266, %add3A_140 : i32
          %dma_wait3A_268 = arith.constant 0 : i32
          %dma_wait3A_269 = arith.constant 0 : i32
          %dma_wait3A_270 = tpu.memref_slice %run_scoped3A_8[%rem3A_265, %dma_wait3A_268, %dma_wait3A_269] : memref<2x128x256xf32, #tpu.memory_space<vmem>> -> memref<1x128x256xf32, #tpu.memory_space<vmem>>
          %dma_wait3A_271 = tpu.memref_squeeze %dma_wait3A_270 : memref<1x128x256xf32, #tpu.memory_space<vmem>> -> memref<128x256xf32, #tpu.memory_space<vmem>>
          %dma_wait3A_272 = arith.constant 0 : i32
          %dma_wait3A_273 = tpu.memref_slice %arg4[%mul3A_267, %dma_wait3A_272] : memref<16384x256xf32, #tpu.memory_space<hbm>> -> memref<128x256xf32, #tpu.memory_space<hbm>>
          %dma_wait3A_274 = tpu.memref_slice %run_scoped3A_9[%rem3A_265] : memref<2x!tpu.dma_semaphore, #tpu.memory_space<semaphore_mem>> -> memref<1x!tpu.dma_semaphore, #tpu.memory_space<semaphore_mem>>
          %dma_wait3A_275 = tpu.memref_squeeze %dma_wait3A_274 : memref<1x!tpu.dma_semaphore, #tpu.memory_space<semaphore_mem>> -> memref<!tpu.dma_semaphore, #tpu.memory_space<semaphore_mem>>
          %dma_wait3A_276 = arith.constant 0 : i32
          %dma_wait3A_277 = tpu.memref_slice %arg4[%mul3A_267, %dma_wait3A_276] : memref<16384x256xf32, #tpu.memory_space<hbm>> -> memref<128x256xf32, #tpu.memory_space<hbm>>
          %dma_wait3A_278 = arith.constant 0 : i32
          %dma_wait3A_279 = arith.constant 0 : i32
          %dma_wait3A_280 = tpu.memref_slice %run_scoped3A_8[%rem3A_265, %dma_wait3A_278, %dma_wait3A_279] : memref<2x128x256xf32, #tpu.memory_space<vmem>> -> memref<1x128x256xf32, #tpu.memory_space<vmem>>
          %dma_wait3A_281 = tpu.memref_squeeze %dma_wait3A_280 : memref<1x128x256xf32, #tpu.memory_space<vmem>> -> memref<128x256xf32, #tpu.memory_space<vmem>>
          tpu.wait_dma2 semaphore(%dma_wait3A_275 : memref<!tpu.dma_semaphore, #tpu.memory_space<semaphore_mem>>) src(%dma_wait3A_281 : memref<128x256xf32, #tpu.memory_space<vmem>>) dst(%dma_wait3A_277 : memref<128x256xf32, #tpu.memory_space<hbm>>)
          "tpu.trace_stop"() : () -> ()
        } else {
        }
        %and3A_244 = arith.constant true
        %and3A_245 = arith.andi %and3A_240, %and3A_244 : i1
        %add3A_246 = arith.constant 1 : i32
        %add3A_247 = arith.addi %scan3A_125, %add3A_246 : i32
        %select_n3A_248 = arith.select %and3A_245, %add3A_247, %scan3A_125 : i32
        %ne3A_249 = arith.cmpi ne, %add3A_131, %add3A_149 : i32
        %or3A_250 = arith.constant false
        %or3A_251 = arith.ori %or3A_250, %ne3A_249 : i1
        %or3A_252 = arith.ori %or3A_251, %eq3A_130 : i1
        %add3A_253 = arith.constant 1 : i32
        %add3A_254 = arith.addi %scan3A_123, %add3A_253 : i32
        %select_n3A_255 = arith.select %or3A_252, %add3A_254, %scan3A_123 : i32
        %add3A_256 = arith.constant 1 : i32
        %add3A_257 = arith.addi %scan3A_126, %add3A_256 : i32
        %select_n3A_258 = arith.constant true
        %select_n3A_259 = arith.select %select_n3A_258, %add3A_257, %scan3A_126 : i32
        %eq3A_260 = arith.constant 4 : i32
        %eq3A_261 = arith.cmpi eq, %select_n3A_259, %eq3A_260 : i32
        %select_n3A_262 = arith.constant 0 : i32
        %select_n3A_263 = arith.select %eq3A_261, %select_n3A_262, %select_n3A_259 : i32
        scf.yield %select_n3A_167, %select_n3A_255, %select_n3A_221, %select_n3A_248, %select_n3A_263 : i32, i32, i32, i32, i32
      }
      %scan3A_68 = arith.constant 4 : i32
      %sub3A = arith.constant 1 : i32
      %sub3A_69 = arith.subi %scan3A_67#4, %sub3A : i32
      %select_n3A_70 = arith.constant true
      %select_n3A_71 = arith.select %select_n3A_70, %sub3A_69, %scan3A_67#4 : i32
      %eq3A_72 = arith.constant -1 : i32
      %eq3A_73 = arith.cmpi eq, %select_n3A_71, %eq3A_72 : i32
      %select_n3A_74 = arith.constant 3 : i32
      %select_n3A_75 = arith.select %eq3A_73, %select_n3A_74, %select_n3A_71 : i32
      %add3A_76 = arith.addi %select_n3A_75, %mul3A_6 : i32
      %sub3A_77 = arith.constant 1 : i32
      %sub3A_78 = arith.subi %select_n3A_75, %sub3A_77 : i32
      %select_n3A_79 = arith.constant true
      %select_n3A_80 = arith.select %select_n3A_79, %sub3A_78, %select_n3A_75 : i32
      %eq3A_81 = arith.constant -1 : i32
      %eq3A_82 = arith.cmpi eq, %select_n3A_80, %eq3A_81 : i32
      %select_n3A_83 = arith.constant 3 : i32
      %select_n3A_84 = arith.select %eq3A_82, %select_n3A_83, %select_n3A_80 : i32
      %add3A_85 = arith.addi %select_n3A_84, %mul3A_6 : i32
      %add3A_86 = arith.constant 1 : i32
      %add3A_87 = arith.addi %select_n3A_75, %add3A_86 : i32
      %select_n3A_88 = arith.constant true
      %select_n3A_89 = arith.select %select_n3A_88, %add3A_87, %select_n3A_75 : i32
      %eq3A_90 = arith.constant 4 : i32
      %eq3A_91 = arith.cmpi eq, %select_n3A_89, %eq3A_90 : i32
      %select_n3A_92 = arith.constant 0 : i32
      %select_n3A_93 = arith.select %eq3A_91, %select_n3A_92, %select_n3A_89 : i32
      %add3A_94 = arith.addi %select_n3A_93, %mul3A_6 : i32
      %add3A_95 = arith.constant 1 : i32
      %add3A_96 = arith.addi %select_n3A_93, %add3A_95 : i32
      %select_n3A_97 = arith.constant true
      %select_n3A_98 = arith.select %select_n3A_97, %add3A_96, %select_n3A_93 : i32
      %eq3A_99 = arith.constant 4 : i32
      %eq3A_100 = arith.cmpi eq, %select_n3A_98, %eq3A_99 : i32
      %select_n3A_101 = arith.constant 0 : i32
      %select_n3A_102 = arith.select %eq3A_100, %select_n3A_101, %select_n3A_98 : i32
      %add3A_103 = arith.addi %select_n3A_102, %mul3A_6 : i32
      "tpu.trace_start"() <{level = 10 : i32, message = "ep_finalize"}> : () -> ()
      %rem3A_104 = arith.constant 2 : i32
      %rem3A_105 = arith.remui %scan3A_67#3, %rem3A_104 : i32
      %mul3A_106 = arith.constant 128 : i32
      %mul3A_107 = arith.muli %mul3A_106, %add3A_76 : i32
      %dma_wait3A = arith.constant 0 : i32
      %dma_wait3A_108 = arith.constant 0 : i32
      %dma_wait3A_109 = tpu.memref_slice %run_scoped3A_8[%rem3A_105, %dma_wait3A, %dma_wait3A_108] : memref<2x128x256xf32, #tpu.memory_space<vmem>> -> memref<1x128x256xf32, #tpu.memory_space<vmem>>
      %dma_wait3A_110 = tpu.memref_squeeze %dma_wait3A_109 : memref<1x128x256xf32, #tpu.memory_space<vmem>> -> memref<128x256xf32, #tpu.memory_space<vmem>>
      %dma_wait3A_111 = arith.constant 0 : i32
      %dma_wait3A_112 = tpu.memref_slice %arg4[%mul3A_107, %dma_wait3A_111] : memref<16384x256xf32, #tpu.memory_space<hbm>> -> memref<128x256xf32, #tpu.memory_space<hbm>>
      %dma_wait3A_113 = tpu.memref_slice %run_scoped3A_9[%rem3A_105] : memref<2x!tpu.dma_semaphore, #tpu.memory_space<semaphore_mem>> -> memref<1x!tpu.dma_semaphore, #tpu.memory_space<semaphore_mem>>
      %dma_wait3A_114 = tpu.memref_squeeze %dma_wait3A_113 : memref<1x!tpu.dma_semaphore, #tpu.memory_space<semaphore_mem>> -> memref<!tpu.dma_semaphore, #tpu.memory_space<semaphore_mem>>
      %dma_wait3A_115 = arith.constant 0 : i32
      %dma_wait3A_116 = tpu.memref_slice %arg4[%mul3A_107, %dma_wait3A_115] : memref<16384x256xf32, #tpu.memory_space<hbm>> -> memref<128x256xf32, #tpu.memory_space<hbm>>
      %dma_wait3A_117 = arith.constant 0 : i32
      %dma_wait3A_118 = arith.constant 0 : i32
      %dma_wait3A_119 = tpu.memref_slice %run_scoped3A_8[%rem3A_105, %dma_wait3A_117, %dma_wait3A_118] : memref<2x128x256xf32, #tpu.memory_space<vmem>> -> memref<1x128x256xf32, #tpu.memory_space<vmem>>
      %dma_wait3A_120 = tpu.memref_squeeze %dma_wait3A_119 : memref<1x128x256xf32, #tpu.memory_space<vmem>> -> memref<128x256xf32, #tpu.memory_space<vmem>>
      tpu.wait_dma2 semaphore(%dma_wait3A_114 : memref<!tpu.dma_semaphore, #tpu.memory_space<semaphore_mem>>) src(%dma_wait3A_120 : memref<128x256xf32, #tpu.memory_space<vmem>>) dst(%dma_wait3A_116 : memref<128x256xf32, #tpu.memory_space<hbm>>)
      "tpu.trace_stop"() : () -> ()
      tpu.yield
    }) : () -> ()
    return
  }
}

module attributes {stable_mosaic.version = 14 : i64} {
  func.func @_argmin_body(%arg0: i32, %arg1: memref<256x256xf32, #tpu.memory_space<vmem>>, %arg2: memref<256x8192xf32, #tpu.memory_space<vmem>>, %arg3: memref<256x8192xbf16, #tpu.memory_space<vmem>>, %arg4: memref<256x1xi32, #tpu.memory_space<vmem>>, %arg5: memref<1x8192xf32, #tpu.memory_space<vmem>>, %arg6: memref<256x8192xf32, #tpu.memory_space<vmem>>) attributes {dimension_semantics = [#tpu.dimension_semantics<arbitrary>], iteration_bounds = array<i64: 64>, scalar_prefetch = 0 : i64, scratch_operands = 2 : i64, tpu.core_type = #tpu.core_type<tc>, window_params = [{transform_indices = @transform_0, window_bounds = array<i64: 256, 256>}, {pipeline_mode = #tpu.pipeline_mode<synchronous>, transform_indices = @transform_1, window_bounds = array<i64: 256, 8192>}, {pipeline_mode = #tpu.pipeline_mode<synchronous>, transform_indices = @transform_2, window_bounds = array<i64: 256, 8192>}, {transform_indices = @transform_3, window_bounds = array<i64: 256, 1>}]} {
    %eq3A = arith.constant 0 : i32
    %eq3A_0 = arith.cmpi eq, %arg0, %eq3A : i32
    %convert_element_type3A = arith.extui %eq3A_0 : i1 to i32
    %cond3A = arith.constant 0 : i32
    %cond3A_1 = arith.cmpi ne, %convert_element_type3A, %cond3A : i32
    scf.if %cond3A_1 {
      %get3A_581 = arith.constant 0 : index
      %get3A_582 = arith.constant 0 : index
      %get3A_583 = vector.load %arg2[%get3A_581, %get3A_582] : memref<256x8192xf32, #tpu.memory_space<vmem>>, vector<256x8192xf32>
      %mul3A_584 = arith.mulf %get3A_583, %get3A_583 : vector<256x8192xf32>
      %reduce_sum3A_585 = arith.constant dense<0.000000e+00> : vector<8192xf32>
      %reduce_sum3A_586 = vector.multi_reduction <add>, %mul3A_584, %reduce_sum3A_585 [0] : vector<256x8192xf32> to vector<8192xf32>
      %broadcast_in_dim3A_587 = vector.shape_cast %reduce_sum3A_586 : vector<8192xf32> to vector<1x8192xf32>
      %mul3A_588 = arith.constant 2.500000e-01 : f32
      %mul3A_589 = vector.broadcast %mul3A_588 : f32 to vector<1x8192xf32>
      %mul3A_590 = arith.mulf %broadcast_in_dim3A_587, %mul3A_589 : vector<1x8192xf32>
      %swap3A_591 = arith.constant 0 : index
      %swap3A_592 = arith.constant 0 : index
      %swap3A_593 = vector.load %arg5[%swap3A_591, %swap3A_592] : memref<1x8192xf32, #tpu.memory_space<vmem>>, vector<1x8192xf32>
      tpu.vector_store %arg5[%swap3A_591, %swap3A_592], %mul3A_590 {strides = array<i32>} : memref<1x8192xf32, #tpu.memory_space<vmem>>, vector<1x8192xf32>,
    } else {
    }
    %get3A = arith.constant 0 : index
    %get3A_2 = arith.constant 0 : index
    %get3A_3 = vector.load %arg1[%get3A, %get3A_2] : memref<256x256xf32, #tpu.memory_space<vmem>>, vector<256x256xf32>
    %mul3A = arith.mulf %get3A_3, %get3A_3 : vector<256x256xf32>
    %reduce_sum3A = arith.constant dense<0.000000e+00> : vector<256xf32>
    %reduce_sum3A_4 = vector.multi_reduction <add>, %mul3A, %reduce_sum3A [1] : vector<256x256xf32> to vector<256xf32>
    %broadcast_in_dim3A = vector.shape_cast %reduce_sum3A_4 : vector<256xf32> to vector<256x1xf32>
    %get3A_5 = arith.constant 0 : index
    %get3A_6 = arith.constant 0 : index
    %get3A_7 = vector.load %arg3[%get3A_5, %get3A_6] : memref<256x8192xbf16, #tpu.memory_space<vmem>>, vector<256x256xbf16>
    %dot_general3A = arith.constant dense<0.000000e+00> : vector<256x256xf32>
    %dot_general3A_8 = tpu.matmul %get3A_3, %get3A_7, %dot_general3A {dimension_numbers = #tpu.dot_dimension_numbers<[1], [0], [0], [1], [0, 0, 1, 1], [], []>, transpose_lhs_hint = false} : vector<256x256xf32>, vector<256x256xbf16>, vector<256x256xf32> -> vector<256x256xf32>
    %get3A_9 = arith.constant 0 : index
    %get3A_10 = arith.constant 0 : index
    %get3A_11 = vector.load %arg5[%get3A_9, %get3A_10] : memref<1x8192xf32, #tpu.memory_space<vmem>>, vector<1x256xf32>
    %add3A = vector.broadcast %broadcast_in_dim3A : vector<256x1xf32> to vector<256x256xf32>
    %add3A_12 = vector.broadcast %get3A_11 : vector<1x256xf32> to vector<256x256xf32>
    %add3A_13 = arith.addf %add3A, %add3A_12 : vector<256x256xf32>
    %add3A_14 = arith.addf %add3A_13, %dot_general3A_8 : vector<256x256xf32>
    %swap3A = arith.constant 0 : index
    %swap3A_15 = arith.constant 0 : index
    %swap3A_16 = vector.load %arg6[%swap3A, %swap3A_15] : memref<256x8192xf32, #tpu.memory_space<vmem>>, vector<256x256xf32>
    tpu.vector_store %arg6[%swap3A, %swap3A_15], %add3A_14 {strides = array<i32>} : memref<256x8192xf32, #tpu.memory_space<vmem>>, vector<256x256xf32>,
    %get3A_17 = arith.constant 0 : index
    %get3A_18 = arith.constant 256 : index
    %get3A_19 = vector.load %arg3[%get3A_17, %get3A_18] : memref<256x8192xbf16, #tpu.memory_space<vmem>>, vector<256x256xbf16>
    %dot_general3A_20 = arith.constant dense<0.000000e+00> : vector<256x256xf32>
    %dot_general3A_21 = tpu.matmul %get3A_3, %get3A_19, %dot_general3A_20 {dimension_numbers = #tpu.dot_dimension_numbers<[1], [0], [0], [1], [0, 0, 1, 1], [], []>, transpose_lhs_hint = false} : vector<256x256xf32>, vector<256x256xbf16>, vector<256x256xf32> -> vector<256x256xf32>
    %get3A_22 = arith.constant 0 : index
    %get3A_23 = arith.constant 256 : index
    %get3A_24 = vector.load %arg5[%get3A_22, %get3A_23] : memref<1x8192xf32, #tpu.memory_space<vmem>>, vector<1x256xf32>
    %add3A_25 = vector.broadcast %broadcast_in_dim3A : vector<256x1xf32> to vector<256x256xf32>
    %add3A_26 = vector.broadcast %get3A_24 : vector<1x256xf32> to vector<256x256xf32>
    %add3A_27 = arith.addf %add3A_25, %add3A_26 : vector<256x256xf32>
    %add3A_28 = arith.addf %add3A_27, %dot_general3A_21 : vector<256x256xf32>
    %swap3A_29 = arith.constant 0 : index
    %swap3A_30 = arith.constant 256 : index
    %swap3A_31 = vector.load %arg6[%swap3A_29, %swap3A_30] : memref<256x8192xf32, #tpu.memory_space<vmem>>, vector<256x256xf32>
    tpu.vector_store %arg6[%swap3A_29, %swap3A_30], %add3A_28 {strides = array<i32>} : memref<256x8192xf32, #tpu.memory_space<vmem>>, vector<256x256xf32>,
    %get3A_32 = arith.constant 0 : index
    %get3A_33 = arith.constant 512 : index
    %get3A_34 = vector.load %arg3[%get3A_32, %get3A_33] : memref<256x8192xbf16, #tpu.memory_space<vmem>>, vector<256x256xbf16>
    %dot_general3A_35 = arith.constant dense<0.000000e+00> : vector<256x256xf32>
    %dot_general3A_36 = tpu.matmul %get3A_3, %get3A_34, %dot_general3A_35 {dimension_numbers = #tpu.dot_dimension_numbers<[1], [0], [0], [1], [0, 0, 1, 1], [], []>, transpose_lhs_hint = false} : vector<256x256xf32>, vector<256x256xbf16>, vector<256x256xf32> -> vector<256x256xf32>
    %get3A_37 = arith.constant 0 : index
    %get3A_38 = arith.constant 512 : index
    %get3A_39 = vector.load %arg5[%get3A_37, %get3A_38] : memref<1x8192xf32, #tpu.memory_space<vmem>>, vector<1x256xf32>
    %add3A_40 = vector.broadcast %broadcast_in_dim3A : vector<256x1xf32> to vector<256x256xf32>
    %add3A_41 = vector.broadcast %get3A_39 : vector<1x256xf32> to vector<256x256xf32>
    %add3A_42 = arith.addf %add3A_40, %add3A_41 : vector<256x256xf32>
    %add3A_43 = arith.addf %add3A_42, %dot_general3A_36 : vector<256x256xf32>
    %swap3A_44 = arith.constant 0 : index
    %swap3A_45 = arith.constant 512 : index
    %swap3A_46 = vector.load %arg6[%swap3A_44, %swap3A_45] : memref<256x8192xf32, #tpu.memory_space<vmem>>, vector<256x256xf32>
    tpu.vector_store %arg6[%swap3A_44, %swap3A_45], %add3A_43 {strides = array<i32>} : memref<256x8192xf32, #tpu.memory_space<vmem>>, vector<256x256xf32>,
    %get3A_47 = arith.constant 0 : index
    %get3A_48 = arith.constant 768 : index
    %get3A_49 = vector.load %arg3[%get3A_47, %get3A_48] : memref<256x8192xbf16, #tpu.memory_space<vmem>>, vector<256x256xbf16>
    %dot_general3A_50 = arith.constant dense<0.000000e+00> : vector<256x256xf32>
    %dot_general3A_51 = tpu.matmul %get3A_3, %get3A_49, %dot_general3A_50 {dimension_numbers = #tpu.dot_dimension_numbers<[1], [0], [0], [1], [0, 0, 1, 1], [], []>, transpose_lhs_hint = false} : vector<256x256xf32>, vector<256x256xbf16>, vector<256x256xf32> -> vector<256x256xf32>
    %get3A_52 = arith.constant 0 : index
    %get3A_53 = arith.constant 768 : index
    %get3A_54 = vector.load %arg5[%get3A_52, %get3A_53] : memref<1x8192xf32, #tpu.memory_space<vmem>>, vector<1x256xf32>
    %add3A_55 = vector.broadcast %broadcast_in_dim3A : vector<256x1xf32> to vector<256x256xf32>
    %add3A_56 = vector.broadcast %get3A_54 : vector<1x256xf32> to vector<256x256xf32>
    %add3A_57 = arith.addf %add3A_55, %add3A_56 : vector<256x256xf32>
    %add3A_58 = arith.addf %add3A_57, %dot_general3A_51 : vector<256x256xf32>
    %swap3A_59 = arith.constant 0 : index
    %swap3A_60 = arith.constant 768 : index
    %swap3A_61 = vector.load %arg6[%swap3A_59, %swap3A_60] : memref<256x8192xf32, #tpu.memory_space<vmem>>, vector<256x256xf32>
    tpu.vector_store %arg6[%swap3A_59, %swap3A_60], %add3A_58 {strides = array<i32>} : memref<256x8192xf32, #tpu.memory_space<vmem>>, vector<256x256xf32>,
    %get3A_62 = arith.constant 0 : index
    %get3A_63 = arith.constant 1024 : index
    %get3A_64 = vector.load %arg3[%get3A_62, %get3A_63] : memref<256x8192xbf16, #tpu.memory_space<vmem>>, vector<256x256xbf16>
    %dot_general3A_65 = arith.constant dense<0.000000e+00> : vector<256x256xf32>
    %dot_general3A_66 = tpu.matmul %get3A_3, %get3A_64, %dot_general3A_65 {dimension_numbers = #tpu.dot_dimension_numbers<[1], [0], [0], [1], [0, 0, 1, 1], [], []>, transpose_lhs_hint = false} : vector<256x256xf32>, vector<256x256xbf16>, vector<256x256xf32> -> vector<256x256xf32>
    %get3A_67 = arith.constant 0 : index
    %get3A_68 = arith.constant 1024 : index
    %get3A_69 = vector.load %arg5[%get3A_67, %get3A_68] : memref<1x8192xf32, #tpu.memory_space<vmem>>, vector<1x256xf32>
    %add3A_70 = vector.broadcast %broadcast_in_dim3A : vector<256x1xf32> to vector<256x256xf32>
    %add3A_71 = vector.broadcast %get3A_69 : vector<1x256xf32> to vector<256x256xf32>
    %add3A_72 = arith.addf %add3A_70, %add3A_71 : vector<256x256xf32>
    %add3A_73 = arith.addf %add3A_72, %dot_general3A_66 : vector<256x256xf32>
    %swap3A_74 = arith.constant 0 : index
    %swap3A_75 = arith.constant 1024 : index
    %swap3A_76 = vector.load %arg6[%swap3A_74, %swap3A_75] : memref<256x8192xf32, #tpu.memory_space<vmem>>, vector<256x256xf32>
    tpu.vector_store %arg6[%swap3A_74, %swap3A_75], %add3A_73 {strides = array<i32>} : memref<256x8192xf32, #tpu.memory_space<vmem>>, vector<256x256xf32>,
    %get3A_77 = arith.constant 0 : index
    %get3A_78 = arith.constant 1280 : index
    %get3A_79 = vector.load %arg3[%get3A_77, %get3A_78] : memref<256x8192xbf16, #tpu.memory_space<vmem>>, vector<256x256xbf16>
    %dot_general3A_80 = arith.constant dense<0.000000e+00> : vector<256x256xf32>
    %dot_general3A_81 = tpu.matmul %get3A_3, %get3A_79, %dot_general3A_80 {dimension_numbers = #tpu.dot_dimension_numbers<[1], [0], [0], [1], [0, 0, 1, 1], [], []>, transpose_lhs_hint = false} : vector<256x256xf32>, vector<256x256xbf16>, vector<256x256xf32> -> vector<256x256xf32>
    %get3A_82 = arith.constant 0 : index
    %get3A_83 = arith.constant 1280 : index
    %get3A_84 = vector.load %arg5[%get3A_82, %get3A_83] : memref<1x8192xf32, #tpu.memory_space<vmem>>, vector<1x256xf32>
    %add3A_85 = vector.broadcast %broadcast_in_dim3A : vector<256x1xf32> to vector<256x256xf32>
    %add3A_86 = vector.broadcast %get3A_84 : vector<1x256xf32> to vector<256x256xf32>
    %add3A_87 = arith.addf %add3A_85, %add3A_86 : vector<256x256xf32>
    %add3A_88 = arith.addf %add3A_87, %dot_general3A_81 : vector<256x256xf32>
    %swap3A_89 = arith.constant 0 : index
    %swap3A_90 = arith.constant 1280 : index
    %swap3A_91 = vector.load %arg6[%swap3A_89, %swap3A_90] : memref<256x8192xf32, #tpu.memory_space<vmem>>, vector<256x256xf32>
    tpu.vector_store %arg6[%swap3A_89, %swap3A_90], %add3A_88 {strides = array<i32>} : memref<256x8192xf32, #tpu.memory_space<vmem>>, vector<256x256xf32>,
    %get3A_92 = arith.constant 0 : index
    %get3A_93 = arith.constant 1536 : index
    %get3A_94 = vector.load %arg3[%get3A_92, %get3A_93] : memref<256x8192xbf16, #tpu.memory_space<vmem>>, vector<256x256xbf16>
    %dot_general3A_95 = arith.constant dense<0.000000e+00> : vector<256x256xf32>
    %dot_general3A_96 = tpu.matmul %get3A_3, %get3A_94, %dot_general3A_95 {dimension_numbers = #tpu.dot_dimension_numbers<[1], [0], [0], [1], [0, 0, 1, 1], [], []>, transpose_lhs_hint = false} : vector<256x256xf32>, vector<256x256xbf16>, vector<256x256xf32> -> vector<256x256xf32>
    %get3A_97 = arith.constant 0 : index
    %get3A_98 = arith.constant 1536 : index
    %get3A_99 = vector.load %arg5[%get3A_97, %get3A_98] : memref<1x8192xf32, #tpu.memory_space<vmem>>, vector<1x256xf32>
    %add3A_100 = vector.broadcast %broadcast_in_dim3A : vector<256x1xf32> to vector<256x256xf32>
    %add3A_101 = vector.broadcast %get3A_99 : vector<1x256xf32> to vector<256x256xf32>
    %add3A_102 = arith.addf %add3A_100, %add3A_101 : vector<256x256xf32>
    %add3A_103 = arith.addf %add3A_102, %dot_general3A_96 : vector<256x256xf32>
    %swap3A_104 = arith.constant 0 : index
    %swap3A_105 = arith.constant 1536 : index
    %swap3A_106 = vector.load %arg6[%swap3A_104, %swap3A_105] : memref<256x8192xf32, #tpu.memory_space<vmem>>, vector<256x256xf32>
    tpu.vector_store %arg6[%swap3A_104, %swap3A_105], %add3A_103 {strides = array<i32>} : memref<256x8192xf32, #tpu.memory_space<vmem>>, vector<256x256xf32>,
    %get3A_107 = arith.constant 0 : index
    %get3A_108 = arith.constant 1792 : index
    %get3A_109 = vector.load %arg3[%get3A_107, %get3A_108] : memref<256x8192xbf16, #tpu.memory_space<vmem>>, vector<256x256xbf16>
    %dot_general3A_110 = arith.constant dense<0.000000e+00> : vector<256x256xf32>
    %dot_general3A_111 = tpu.matmul %get3A_3, %get3A_109, %dot_general3A_110 {dimension_numbers = #tpu.dot_dimension_numbers<[1], [0], [0], [1], [0, 0, 1, 1], [], []>, transpose_lhs_hint = false} : vector<256x256xf32>, vector<256x256xbf16>, vector<256x256xf32> -> vector<256x256xf32>
    %get3A_112 = arith.constant 0 : index
    %get3A_113 = arith.constant 1792 : index
    %get3A_114 = vector.load %arg5[%get3A_112, %get3A_113] : memref<1x8192xf32, #tpu.memory_space<vmem>>, vector<1x256xf32>
    %add3A_115 = vector.broadcast %broadcast_in_dim3A : vector<256x1xf32> to vector<256x256xf32>
    %add3A_116 = vector.broadcast %get3A_114 : vector<1x256xf32> to vector<256x256xf32>
    %add3A_117 = arith.addf %add3A_115, %add3A_116 : vector<256x256xf32>
    %add3A_118 = arith.addf %add3A_117, %dot_general3A_111 : vector<256x256xf32>
    %swap3A_119 = arith.constant 0 : index
    %swap3A_120 = arith.constant 1792 : index
    %swap3A_121 = vector.load %arg6[%swap3A_119, %swap3A_120] : memref<256x8192xf32, #tpu.memory_space<vmem>>, vector<256x256xf32>
    tpu.vector_store %arg6[%swap3A_119, %swap3A_120], %add3A_118 {strides = array<i32>} : memref<256x8192xf32, #tpu.memory_space<vmem>>, vector<256x256xf32>,
    %get3A_122 = arith.constant 0 : index
    %get3A_123 = arith.constant 2048 : index
    %get3A_124 = vector.load %arg3[%get3A_122, %get3A_123] : memref<256x8192xbf16, #tpu.memory_space<vmem>>, vector<256x256xbf16>
    %dot_general3A_125 = arith.constant dense<0.000000e+00> : vector<256x256xf32>
    %dot_general3A_126 = tpu.matmul %get3A_3, %get3A_124, %dot_general3A_125 {dimension_numbers = #tpu.dot_dimension_numbers<[1], [0], [0], [1], [0, 0, 1, 1], [], []>, transpose_lhs_hint = false} : vector<256x256xf32>, vector<256x256xbf16>, vector<256x256xf32> -> vector<256x256xf32>
    %get3A_127 = arith.constant 0 : index
    %get3A_128 = arith.constant 2048 : index
    %get3A_129 = vector.load %arg5[%get3A_127, %get3A_128] : memref<1x8192xf32, #tpu.memory_space<vmem>>, vector<1x256xf32>
    %add3A_130 = vector.broadcast %broadcast_in_dim3A : vector<256x1xf32> to vector<256x256xf32>
    %add3A_131 = vector.broadcast %get3A_129 : vector<1x256xf32> to vector<256x256xf32>
    %add3A_132 = arith.addf %add3A_130, %add3A_131 : vector<256x256xf32>
    %add3A_133 = arith.addf %add3A_132, %dot_general3A_126 : vector<256x256xf32>
    %swap3A_134 = arith.constant 0 : index
    %swap3A_135 = arith.constant 2048 : index
    %swap3A_136 = vector.load %arg6[%swap3A_134, %swap3A_135] : memref<256x8192xf32, #tpu.memory_space<vmem>>, vector<256x256xf32>
    tpu.vector_store %arg6[%swap3A_134, %swap3A_135], %add3A_133 {strides = array<i32>} : memref<256x8192xf32, #tpu.memory_space<vmem>>, vector<256x256xf32>,
    %get3A_137 = arith.constant 0 : index
    %get3A_138 = arith.constant 2304 : index
    %get3A_139 = vector.load %arg3[%get3A_137, %get3A_138] : memref<256x8192xbf16, #tpu.memory_space<vmem>>, vector<256x256xbf16>
    %dot_general3A_140 = arith.constant dense<0.000000e+00> : vector<256x256xf32>
    %dot_general3A_141 = tpu.matmul %get3A_3, %get3A_139, %dot_general3A_140 {dimension_numbers = #tpu.dot_dimension_numbers<[1], [0], [0], [1], [0, 0, 1, 1], [], []>, transpose_lhs_hint = false} : vector<256x256xf32>, vector<256x256xbf16>, vector<256x256xf32> -> vector<256x256xf32>
    %get3A_142 = arith.constant 0 : index
    %get3A_143 = arith.constant 2304 : index
    %get3A_144 = vector.load %arg5[%get3A_142, %get3A_143] : memref<1x8192xf32, #tpu.memory_space<vmem>>, vector<1x256xf32>
    %add3A_145 = vector.broadcast %broadcast_in_dim3A : vector<256x1xf32> to vector<256x256xf32>
    %add3A_146 = vector.broadcast %get3A_144 : vector<1x256xf32> to vector<256x256xf32>
    %add3A_147 = arith.addf %add3A_145, %add3A_146 : vector<256x256xf32>
    %add3A_148 = arith.addf %add3A_147, %dot_general3A_141 : vector<256x256xf32>
    %swap3A_149 = arith.constant 0 : index
    %swap3A_150 = arith.constant 2304 : index
    %swap3A_151 = vector.load %arg6[%swap3A_149, %swap3A_150] : memref<256x8192xf32, #tpu.memory_space<vmem>>, vector<256x256xf32>
    tpu.vector_store %arg6[%swap3A_149, %swap3A_150], %add3A_148 {strides = array<i32>} : memref<256x8192xf32, #tpu.memory_space<vmem>>, vector<256x256xf32>,
    %get3A_152 = arith.constant 0 : index
    %get3A_153 = arith.constant 2560 : index
    %get3A_154 = vector.load %arg3[%get3A_152, %get3A_153] : memref<256x8192xbf16, #tpu.memory_space<vmem>>, vector<256x256xbf16>
    %dot_general3A_155 = arith.constant dense<0.000000e+00> : vector<256x256xf32>
    %dot_general3A_156 = tpu.matmul %get3A_3, %get3A_154, %dot_general3A_155 {dimension_numbers = #tpu.dot_dimension_numbers<[1], [0], [0], [1], [0, 0, 1, 1], [], []>, transpose_lhs_hint = false} : vector<256x256xf32>, vector<256x256xbf16>, vector<256x256xf32> -> vector<256x256xf32>
    %get3A_157 = arith.constant 0 : index
    %get3A_158 = arith.constant 2560 : index
    %get3A_159 = vector.load %arg5[%get3A_157, %get3A_158] : memref<1x8192xf32, #tpu.memory_space<vmem>>, vector<1x256xf32>
    %add3A_160 = vector.broadcast %broadcast_in_dim3A : vector<256x1xf32> to vector<256x256xf32>
    %add3A_161 = vector.broadcast %get3A_159 : vector<1x256xf32> to vector<256x256xf32>
    %add3A_162 = arith.addf %add3A_160, %add3A_161 : vector<256x256xf32>
    %add3A_163 = arith.addf %add3A_162, %dot_general3A_156 : vector<256x256xf32>
    %swap3A_164 = arith.constant 0 : index
    %swap3A_165 = arith.constant 2560 : index
    %swap3A_166 = vector.load %arg6[%swap3A_164, %swap3A_165] : memref<256x8192xf32, #tpu.memory_space<vmem>>, vector<256x256xf32>
    tpu.vector_store %arg6[%swap3A_164, %swap3A_165], %add3A_163 {strides = array<i32>} : memref<256x8192xf32, #tpu.memory_space<vmem>>, vector<256x256xf32>,
    %get3A_167 = arith.constant 0 : index
    %get3A_168 = arith.constant 2816 : index
    %get3A_169 = vector.load %arg3[%get3A_167, %get3A_168] : memref<256x8192xbf16, #tpu.memory_space<vmem>>, vector<256x256xbf16>
    %dot_general3A_170 = arith.constant dense<0.000000e+00> : vector<256x256xf32>
    %dot_general3A_171 = tpu.matmul %get3A_3, %get3A_169, %dot_general3A_170 {dimension_numbers = #tpu.dot_dimension_numbers<[1], [0], [0], [1], [0, 0, 1, 1], [], []>, transpose_lhs_hint = false} : vector<256x256xf32>, vector<256x256xbf16>, vector<256x256xf32> -> vector<256x256xf32>
    %get3A_172 = arith.constant 0 : index
    %get3A_173 = arith.constant 2816 : index
    %get3A_174 = vector.load %arg5[%get3A_172, %get3A_173] : memref<1x8192xf32, #tpu.memory_space<vmem>>, vector<1x256xf32>
    %add3A_175 = vector.broadcast %broadcast_in_dim3A : vector<256x1xf32> to vector<256x256xf32>
    %add3A_176 = vector.broadcast %get3A_174 : vector<1x256xf32> to vector<256x256xf32>
    %add3A_177 = arith.addf %add3A_175, %add3A_176 : vector<256x256xf32>
    %add3A_178 = arith.addf %add3A_177, %dot_general3A_171 : vector<256x256xf32>
    %swap3A_179 = arith.constant 0 : index
    %swap3A_180 = arith.constant 2816 : index
    %swap3A_181 = vector.load %arg6[%swap3A_179, %swap3A_180] : memref<256x8192xf32, #tpu.memory_space<vmem>>, vector<256x256xf32>
    tpu.vector_store %arg6[%swap3A_179, %swap3A_180], %add3A_178 {strides = array<i32>} : memref<256x8192xf32, #tpu.memory_space<vmem>>, vector<256x256xf32>,
    %get3A_182 = arith.constant 0 : index
    %get3A_183 = arith.constant 3072 : index
    %get3A_184 = vector.load %arg3[%get3A_182, %get3A_183] : memref<256x8192xbf16, #tpu.memory_space<vmem>>, vector<256x256xbf16>
    %dot_general3A_185 = arith.constant dense<0.000000e+00> : vector<256x256xf32>
    %dot_general3A_186 = tpu.matmul %get3A_3, %get3A_184, %dot_general3A_185 {dimension_numbers = #tpu.dot_dimension_numbers<[1], [0], [0], [1], [0, 0, 1, 1], [], []>, transpose_lhs_hint = false} : vector<256x256xf32>, vector<256x256xbf16>, vector<256x256xf32> -> vector<256x256xf32>
    %get3A_187 = arith.constant 0 : index
    %get3A_188 = arith.constant 3072 : index
    %get3A_189 = vector.load %arg5[%get3A_187, %get3A_188] : memref<1x8192xf32, #tpu.memory_space<vmem>>, vector<1x256xf32>
    %add3A_190 = vector.broadcast %broadcast_in_dim3A : vector<256x1xf32> to vector<256x256xf32>
    %add3A_191 = vector.broadcast %get3A_189 : vector<1x256xf32> to vector<256x256xf32>
    %add3A_192 = arith.addf %add3A_190, %add3A_191 : vector<256x256xf32>
    %add3A_193 = arith.addf %add3A_192, %dot_general3A_186 : vector<256x256xf32>
    %swap3A_194 = arith.constant 0 : index
    %swap3A_195 = arith.constant 3072 : index
    %swap3A_196 = vector.load %arg6[%swap3A_194, %swap3A_195] : memref<256x8192xf32, #tpu.memory_space<vmem>>, vector<256x256xf32>
    tpu.vector_store %arg6[%swap3A_194, %swap3A_195], %add3A_193 {strides = array<i32>} : memref<256x8192xf32, #tpu.memory_space<vmem>>, vector<256x256xf32>,
    %get3A_197 = arith.constant 0 : index
    %get3A_198 = arith.constant 3328 : index
    %get3A_199 = vector.load %arg3[%get3A_197, %get3A_198] : memref<256x8192xbf16, #tpu.memory_space<vmem>>, vector<256x256xbf16>
    %dot_general3A_200 = arith.constant dense<0.000000e+00> : vector<256x256xf32>
    %dot_general3A_201 = tpu.matmul %get3A_3, %get3A_199, %dot_general3A_200 {dimension_numbers = #tpu.dot_dimension_numbers<[1], [0], [0], [1], [0, 0, 1, 1], [], []>, transpose_lhs_hint = false} : vector<256x256xf32>, vector<256x256xbf16>, vector<256x256xf32> -> vector<256x256xf32>
    %get3A_202 = arith.constant 0 : index
    %get3A_203 = arith.constant 3328 : index
    %get3A_204 = vector.load %arg5[%get3A_202, %get3A_203] : memref<1x8192xf32, #tpu.memory_space<vmem>>, vector<1x256xf32>
    %add3A_205 = vector.broadcast %broadcast_in_dim3A : vector<256x1xf32> to vector<256x256xf32>
    %add3A_206 = vector.broadcast %get3A_204 : vector<1x256xf32> to vector<256x256xf32>
    %add3A_207 = arith.addf %add3A_205, %add3A_206 : vector<256x256xf32>
    %add3A_208 = arith.addf %add3A_207, %dot_general3A_201 : vector<256x256xf32>
    %swap3A_209 = arith.constant 0 : index
    %swap3A_210 = arith.constant 3328 : index
    %swap3A_211 = vector.load %arg6[%swap3A_209, %swap3A_210] : memref<256x8192xf32, #tpu.memory_space<vmem>>, vector<256x256xf32>
    tpu.vector_store %arg6[%swap3A_209, %swap3A_210], %add3A_208 {strides = array<i32>} : memref<256x8192xf32, #tpu.memory_space<vmem>>, vector<256x256xf32>,
    %get3A_212 = arith.constant 0 : index
    %get3A_213 = arith.constant 3584 : index
    %get3A_214 = vector.load %arg3[%get3A_212, %get3A_213] : memref<256x8192xbf16, #tpu.memory_space<vmem>>, vector<256x256xbf16>
    %dot_general3A_215 = arith.constant dense<0.000000e+00> : vector<256x256xf32>
    %dot_general3A_216 = tpu.matmul %get3A_3, %get3A_214, %dot_general3A_215 {dimension_numbers = #tpu.dot_dimension_numbers<[1], [0], [0], [1], [0, 0, 1, 1], [], []>, transpose_lhs_hint = false} : vector<256x256xf32>, vector<256x256xbf16>, vector<256x256xf32> -> vector<256x256xf32>
    %get3A_217 = arith.constant 0 : index
    %get3A_218 = arith.constant 3584 : index
    %get3A_219 = vector.load %arg5[%get3A_217, %get3A_218] : memref<1x8192xf32, #tpu.memory_space<vmem>>, vector<1x256xf32>
    %add3A_220 = vector.broadcast %broadcast_in_dim3A : vector<256x1xf32> to vector<256x256xf32>
    %add3A_221 = vector.broadcast %get3A_219 : vector<1x256xf32> to vector<256x256xf32>
    %add3A_222 = arith.addf %add3A_220, %add3A_221 : vector<256x256xf32>
    %add3A_223 = arith.addf %add3A_222, %dot_general3A_216 : vector<256x256xf32>
    %swap3A_224 = arith.constant 0 : index
    %swap3A_225 = arith.constant 3584 : index
    %swap3A_226 = vector.load %arg6[%swap3A_224, %swap3A_225] : memref<256x8192xf32, #tpu.memory_space<vmem>>, vector<256x256xf32>
    tpu.vector_store %arg6[%swap3A_224, %swap3A_225], %add3A_223 {strides = array<i32>} : memref<256x8192xf32, #tpu.memory_space<vmem>>, vector<256x256xf32>,
    %get3A_227 = arith.constant 0 : index
    %get3A_228 = arith.constant 3840 : index
    %get3A_229 = vector.load %arg3[%get3A_227, %get3A_228] : memref<256x8192xbf16, #tpu.memory_space<vmem>>, vector<256x256xbf16>
    %dot_general3A_230 = arith.constant dense<0.000000e+00> : vector<256x256xf32>
    %dot_general3A_231 = tpu.matmul %get3A_3, %get3A_229, %dot_general3A_230 {dimension_numbers = #tpu.dot_dimension_numbers<[1], [0], [0], [1], [0, 0, 1, 1], [], []>, transpose_lhs_hint = false} : vector<256x256xf32>, vector<256x256xbf16>, vector<256x256xf32> -> vector<256x256xf32>
    %get3A_232 = arith.constant 0 : index
    %get3A_233 = arith.constant 3840 : index
    %get3A_234 = vector.load %arg5[%get3A_232, %get3A_233] : memref<1x8192xf32, #tpu.memory_space<vmem>>, vector<1x256xf32>
    %add3A_235 = vector.broadcast %broadcast_in_dim3A : vector<256x1xf32> to vector<256x256xf32>
    %add3A_236 = vector.broadcast %get3A_234 : vector<1x256xf32> to vector<256x256xf32>
    %add3A_237 = arith.addf %add3A_235, %add3A_236 : vector<256x256xf32>
    %add3A_238 = arith.addf %add3A_237, %dot_general3A_231 : vector<256x256xf32>
    %swap3A_239 = arith.constant 0 : index
    %swap3A_240 = arith.constant 3840 : index
    %swap3A_241 = vector.load %arg6[%swap3A_239, %swap3A_240] : memref<256x8192xf32, #tpu.memory_space<vmem>>, vector<256x256xf32>
    tpu.vector_store %arg6[%swap3A_239, %swap3A_240], %add3A_238 {strides = array<i32>} : memref<256x8192xf32, #tpu.memory_space<vmem>>, vector<256x256xf32>,
    %get3A_242 = arith.constant 0 : index
    %get3A_243 = arith.constant 4096 : index
    %get3A_244 = vector.load %arg3[%get3A_242, %get3A_243] : memref<256x8192xbf16, #tpu.memory_space<vmem>>, vector<256x256xbf16>
    %dot_general3A_245 = arith.constant dense<0.000000e+00> : vector<256x256xf32>
    %dot_general3A_246 = tpu.matmul %get3A_3, %get3A_244, %dot_general3A_245 {dimension_numbers = #tpu.dot_dimension_numbers<[1], [0], [0], [1], [0, 0, 1, 1], [], []>, transpose_lhs_hint = false} : vector<256x256xf32>, vector<256x256xbf16>, vector<256x256xf32> -> vector<256x256xf32>
    %get3A_247 = arith.constant 0 : index
    %get3A_248 = arith.constant 4096 : index
    %get3A_249 = vector.load %arg5[%get3A_247, %get3A_248] : memref<1x8192xf32, #tpu.memory_space<vmem>>, vector<1x256xf32>
    %add3A_250 = vector.broadcast %broadcast_in_dim3A : vector<256x1xf32> to vector<256x256xf32>
    %add3A_251 = vector.broadcast %get3A_249 : vector<1x256xf32> to vector<256x256xf32>
    %add3A_252 = arith.addf %add3A_250, %add3A_251 : vector<256x256xf32>
    %add3A_253 = arith.addf %add3A_252, %dot_general3A_246 : vector<256x256xf32>
    %swap3A_254 = arith.constant 0 : index
    %swap3A_255 = arith.constant 4096 : index
    %swap3A_256 = vector.load %arg6[%swap3A_254, %swap3A_255] : memref<256x8192xf32, #tpu.memory_space<vmem>>, vector<256x256xf32>
    tpu.vector_store %arg6[%swap3A_254, %swap3A_255], %add3A_253 {strides = array<i32>} : memref<256x8192xf32, #tpu.memory_space<vmem>>, vector<256x256xf32>,
    %get3A_257 = arith.constant 0 : index
    %get3A_258 = arith.constant 4352 : index
    %get3A_259 = vector.load %arg3[%get3A_257, %get3A_258] : memref<256x8192xbf16, #tpu.memory_space<vmem>>, vector<256x256xbf16>
    %dot_general3A_260 = arith.constant dense<0.000000e+00> : vector<256x256xf32>
    %dot_general3A_261 = tpu.matmul %get3A_3, %get3A_259, %dot_general3A_260 {dimension_numbers = #tpu.dot_dimension_numbers<[1], [0], [0], [1], [0, 0, 1, 1], [], []>, transpose_lhs_hint = false} : vector<256x256xf32>, vector<256x256xbf16>, vector<256x256xf32> -> vector<256x256xf32>
    %get3A_262 = arith.constant 0 : index
    %get3A_263 = arith.constant 4352 : index
    %get3A_264 = vector.load %arg5[%get3A_262, %get3A_263] : memref<1x8192xf32, #tpu.memory_space<vmem>>, vector<1x256xf32>
    %add3A_265 = vector.broadcast %broadcast_in_dim3A : vector<256x1xf32> to vector<256x256xf32>
    %add3A_266 = vector.broadcast %get3A_264 : vector<1x256xf32> to vector<256x256xf32>
    %add3A_267 = arith.addf %add3A_265, %add3A_266 : vector<256x256xf32>
    %add3A_268 = arith.addf %add3A_267, %dot_general3A_261 : vector<256x256xf32>
    %swap3A_269 = arith.constant 0 : index
    %swap3A_270 = arith.constant 4352 : index
    %swap3A_271 = vector.load %arg6[%swap3A_269, %swap3A_270] : memref<256x8192xf32, #tpu.memory_space<vmem>>, vector<256x256xf32>
    tpu.vector_store %arg6[%swap3A_269, %swap3A_270], %add3A_268 {strides = array<i32>} : memref<256x8192xf32, #tpu.memory_space<vmem>>, vector<256x256xf32>,
    %get3A_272 = arith.constant 0 : index
    %get3A_273 = arith.constant 4608 : index
    %get3A_274 = vector.load %arg3[%get3A_272, %get3A_273] : memref<256x8192xbf16, #tpu.memory_space<vmem>>, vector<256x256xbf16>
    %dot_general3A_275 = arith.constant dense<0.000000e+00> : vector<256x256xf32>
    %dot_general3A_276 = tpu.matmul %get3A_3, %get3A_274, %dot_general3A_275 {dimension_numbers = #tpu.dot_dimension_numbers<[1], [0], [0], [1], [0, 0, 1, 1], [], []>, transpose_lhs_hint = false} : vector<256x256xf32>, vector<256x256xbf16>, vector<256x256xf32> -> vector<256x256xf32>
    %get3A_277 = arith.constant 0 : index
    %get3A_278 = arith.constant 4608 : index
    %get3A_279 = vector.load %arg5[%get3A_277, %get3A_278] : memref<1x8192xf32, #tpu.memory_space<vmem>>, vector<1x256xf32>
    %add3A_280 = vector.broadcast %broadcast_in_dim3A : vector<256x1xf32> to vector<256x256xf32>
    %add3A_281 = vector.broadcast %get3A_279 : vector<1x256xf32> to vector<256x256xf32>
    %add3A_282 = arith.addf %add3A_280, %add3A_281 : vector<256x256xf32>
    %add3A_283 = arith.addf %add3A_282, %dot_general3A_276 : vector<256x256xf32>
    %swap3A_284 = arith.constant 0 : index
    %swap3A_285 = arith.constant 4608 : index
    %swap3A_286 = vector.load %arg6[%swap3A_284, %swap3A_285] : memref<256x8192xf32, #tpu.memory_space<vmem>>, vector<256x256xf32>
    tpu.vector_store %arg6[%swap3A_284, %swap3A_285], %add3A_283 {strides = array<i32>} : memref<256x8192xf32, #tpu.memory_space<vmem>>, vector<256x256xf32>,
    %get3A_287 = arith.constant 0 : index
    %get3A_288 = arith.constant 4864 : index
    %get3A_289 = vector.load %arg3[%get3A_287, %get3A_288] : memref<256x8192xbf16, #tpu.memory_space<vmem>>, vector<256x256xbf16>
    %dot_general3A_290 = arith.constant dense<0.000000e+00> : vector<256x256xf32>
    %dot_general3A_291 = tpu.matmul %get3A_3, %get3A_289, %dot_general3A_290 {dimension_numbers = #tpu.dot_dimension_numbers<[1], [0], [0], [1], [0, 0, 1, 1], [], []>, transpose_lhs_hint = false} : vector<256x256xf32>, vector<256x256xbf16>, vector<256x256xf32> -> vector<256x256xf32>
    %get3A_292 = arith.constant 0 : index
    %get3A_293 = arith.constant 4864 : index
    %get3A_294 = vector.load %arg5[%get3A_292, %get3A_293] : memref<1x8192xf32, #tpu.memory_space<vmem>>, vector<1x256xf32>
    %add3A_295 = vector.broadcast %broadcast_in_dim3A : vector<256x1xf32> to vector<256x256xf32>
    %add3A_296 = vector.broadcast %get3A_294 : vector<1x256xf32> to vector<256x256xf32>
    %add3A_297 = arith.addf %add3A_295, %add3A_296 : vector<256x256xf32>
    %add3A_298 = arith.addf %add3A_297, %dot_general3A_291 : vector<256x256xf32>
    %swap3A_299 = arith.constant 0 : index
    %swap3A_300 = arith.constant 4864 : index
    %swap3A_301 = vector.load %arg6[%swap3A_299, %swap3A_300] : memref<256x8192xf32, #tpu.memory_space<vmem>>, vector<256x256xf32>
    tpu.vector_store %arg6[%swap3A_299, %swap3A_300], %add3A_298 {strides = array<i32>} : memref<256x8192xf32, #tpu.memory_space<vmem>>, vector<256x256xf32>,
    %get3A_302 = arith.constant 0 : index
    %get3A_303 = arith.constant 5120 : index
    %get3A_304 = vector.load %arg3[%get3A_302, %get3A_303] : memref<256x8192xbf16, #tpu.memory_space<vmem>>, vector<256x256xbf16>
    %dot_general3A_305 = arith.constant dense<0.000000e+00> : vector<256x256xf32>
    %dot_general3A_306 = tpu.matmul %get3A_3, %get3A_304, %dot_general3A_305 {dimension_numbers = #tpu.dot_dimension_numbers<[1], [0], [0], [1], [0, 0, 1, 1], [], []>, transpose_lhs_hint = false} : vector<256x256xf32>, vector<256x256xbf16>, vector<256x256xf32> -> vector<256x256xf32>
    %get3A_307 = arith.constant 0 : index
    %get3A_308 = arith.constant 5120 : index
    %get3A_309 = vector.load %arg5[%get3A_307, %get3A_308] : memref<1x8192xf32, #tpu.memory_space<vmem>>, vector<1x256xf32>
    %add3A_310 = vector.broadcast %broadcast_in_dim3A : vector<256x1xf32> to vector<256x256xf32>
    %add3A_311 = vector.broadcast %get3A_309 : vector<1x256xf32> to vector<256x256xf32>
    %add3A_312 = arith.addf %add3A_310, %add3A_311 : vector<256x256xf32>
    %add3A_313 = arith.addf %add3A_312, %dot_general3A_306 : vector<256x256xf32>
    %swap3A_314 = arith.constant 0 : index
    %swap3A_315 = arith.constant 5120 : index
    %swap3A_316 = vector.load %arg6[%swap3A_314, %swap3A_315] : memref<256x8192xf32, #tpu.memory_space<vmem>>, vector<256x256xf32>
    tpu.vector_store %arg6[%swap3A_314, %swap3A_315], %add3A_313 {strides = array<i32>} : memref<256x8192xf32, #tpu.memory_space<vmem>>, vector<256x256xf32>,
    %get3A_317 = arith.constant 0 : index
    %get3A_318 = arith.constant 5376 : index
    %get3A_319 = vector.load %arg3[%get3A_317, %get3A_318] : memref<256x8192xbf16, #tpu.memory_space<vmem>>, vector<256x256xbf16>
    %dot_general3A_320 = arith.constant dense<0.000000e+00> : vector<256x256xf32>
    %dot_general3A_321 = tpu.matmul %get3A_3, %get3A_319, %dot_general3A_320 {dimension_numbers = #tpu.dot_dimension_numbers<[1], [0], [0], [1], [0, 0, 1, 1], [], []>, transpose_lhs_hint = false} : vector<256x256xf32>, vector<256x256xbf16>, vector<256x256xf32> -> vector<256x256xf32>
    %get3A_322 = arith.constant 0 : index
    %get3A_323 = arith.constant 5376 : index
    %get3A_324 = vector.load %arg5[%get3A_322, %get3A_323] : memref<1x8192xf32, #tpu.memory_space<vmem>>, vector<1x256xf32>
    %add3A_325 = vector.broadcast %broadcast_in_dim3A : vector<256x1xf32> to vector<256x256xf32>
    %add3A_326 = vector.broadcast %get3A_324 : vector<1x256xf32> to vector<256x256xf32>
    %add3A_327 = arith.addf %add3A_325, %add3A_326 : vector<256x256xf32>
    %add3A_328 = arith.addf %add3A_327, %dot_general3A_321 : vector<256x256xf32>
    %swap3A_329 = arith.constant 0 : index
    %swap3A_330 = arith.constant 5376 : index
    %swap3A_331 = vector.load %arg6[%swap3A_329, %swap3A_330] : memref<256x8192xf32, #tpu.memory_space<vmem>>, vector<256x256xf32>
    tpu.vector_store %arg6[%swap3A_329, %swap3A_330], %add3A_328 {strides = array<i32>} : memref<256x8192xf32, #tpu.memory_space<vmem>>, vector<256x256xf32>,
    %get3A_332 = arith.constant 0 : index
    %get3A_333 = arith.constant 5632 : index
    %get3A_334 = vector.load %arg3[%get3A_332, %get3A_333] : memref<256x8192xbf16, #tpu.memory_space<vmem>>, vector<256x256xbf16>
    %dot_general3A_335 = arith.constant dense<0.000000e+00> : vector<256x256xf32>
    %dot_general3A_336 = tpu.matmul %get3A_3, %get3A_334, %dot_general3A_335 {dimension_numbers = #tpu.dot_dimension_numbers<[1], [0], [0], [1], [0, 0, 1, 1], [], []>, transpose_lhs_hint = false} : vector<256x256xf32>, vector<256x256xbf16>, vector<256x256xf32> -> vector<256x256xf32>
    %get3A_337 = arith.constant 0 : index
    %get3A_338 = arith.constant 5632 : index
    %get3A_339 = vector.load %arg5[%get3A_337, %get3A_338] : memref<1x8192xf32, #tpu.memory_space<vmem>>, vector<1x256xf32>
    %add3A_340 = vector.broadcast %broadcast_in_dim3A : vector<256x1xf32> to vector<256x256xf32>
    %add3A_341 = vector.broadcast %get3A_339 : vector<1x256xf32> to vector<256x256xf32>
    %add3A_342 = arith.addf %add3A_340, %add3A_341 : vector<256x256xf32>
    %add3A_343 = arith.addf %add3A_342, %dot_general3A_336 : vector<256x256xf32>
    %swap3A_344 = arith.constant 0 : index
    %swap3A_345 = arith.constant 5632 : index
    %swap3A_346 = vector.load %arg6[%swap3A_344, %swap3A_345] : memref<256x8192xf32, #tpu.memory_space<vmem>>, vector<256x256xf32>
    tpu.vector_store %arg6[%swap3A_344, %swap3A_345], %add3A_343 {strides = array<i32>} : memref<256x8192xf32, #tpu.memory_space<vmem>>, vector<256x256xf32>,
    %get3A_347 = arith.constant 0 : index
    %get3A_348 = arith.constant 5888 : index
    %get3A_349 = vector.load %arg3[%get3A_347, %get3A_348] : memref<256x8192xbf16, #tpu.memory_space<vmem>>, vector<256x256xbf16>
    %dot_general3A_350 = arith.constant dense<0.000000e+00> : vector<256x256xf32>
    %dot_general3A_351 = tpu.matmul %get3A_3, %get3A_349, %dot_general3A_350 {dimension_numbers = #tpu.dot_dimension_numbers<[1], [0], [0], [1], [0, 0, 1, 1], [], []>, transpose_lhs_hint = false} : vector<256x256xf32>, vector<256x256xbf16>, vector<256x256xf32> -> vector<256x256xf32>
    %get3A_352 = arith.constant 0 : index
    %get3A_353 = arith.constant 5888 : index
    %get3A_354 = vector.load %arg5[%get3A_352, %get3A_353] : memref<1x8192xf32, #tpu.memory_space<vmem>>, vector<1x256xf32>
    %add3A_355 = vector.broadcast %broadcast_in_dim3A : vector<256x1xf32> to vector<256x256xf32>
    %add3A_356 = vector.broadcast %get3A_354 : vector<1x256xf32> to vector<256x256xf32>
    %add3A_357 = arith.addf %add3A_355, %add3A_356 : vector<256x256xf32>
    %add3A_358 = arith.addf %add3A_357, %dot_general3A_351 : vector<256x256xf32>
    %swap3A_359 = arith.constant 0 : index
    %swap3A_360 = arith.constant 5888 : index
    %swap3A_361 = vector.load %arg6[%swap3A_359, %swap3A_360] : memref<256x8192xf32, #tpu.memory_space<vmem>>, vector<256x256xf32>
    tpu.vector_store %arg6[%swap3A_359, %swap3A_360], %add3A_358 {strides = array<i32>} : memref<256x8192xf32, #tpu.memory_space<vmem>>, vector<256x256xf32>,
    %get3A_362 = arith.constant 0 : index
    %get3A_363 = arith.constant 6144 : index
    %get3A_364 = vector.load %arg3[%get3A_362, %get3A_363] : memref<256x8192xbf16, #tpu.memory_space<vmem>>, vector<256x256xbf16>
    %dot_general3A_365 = arith.constant dense<0.000000e+00> : vector<256x256xf32>
    %dot_general3A_366 = tpu.matmul %get3A_3, %get3A_364, %dot_general3A_365 {dimension_numbers = #tpu.dot_dimension_numbers<[1], [0], [0], [1], [0, 0, 1, 1], [], []>, transpose_lhs_hint = false} : vector<256x256xf32>, vector<256x256xbf16>, vector<256x256xf32> -> vector<256x256xf32>
    %get3A_367 = arith.constant 0 : index
    %get3A_368 = arith.constant 6144 : index
    %get3A_369 = vector.load %arg5[%get3A_367, %get3A_368] : memref<1x8192xf32, #tpu.memory_space<vmem>>, vector<1x256xf32>
    %add3A_370 = vector.broadcast %broadcast_in_dim3A : vector<256x1xf32> to vector<256x256xf32>
    %add3A_371 = vector.broadcast %get3A_369 : vector<1x256xf32> to vector<256x256xf32>
    %add3A_372 = arith.addf %add3A_370, %add3A_371 : vector<256x256xf32>
    %add3A_373 = arith.addf %add3A_372, %dot_general3A_366 : vector<256x256xf32>
    %swap3A_374 = arith.constant 0 : index
    %swap3A_375 = arith.constant 6144 : index
    %swap3A_376 = vector.load %arg6[%swap3A_374, %swap3A_375] : memref<256x8192xf32, #tpu.memory_space<vmem>>, vector<256x256xf32>
    tpu.vector_store %arg6[%swap3A_374, %swap3A_375], %add3A_373 {strides = array<i32>} : memref<256x8192xf32, #tpu.memory_space<vmem>>, vector<256x256xf32>,
    %get3A_377 = arith.constant 0 : index
    %get3A_378 = arith.constant 6400 : index
    %get3A_379 = vector.load %arg3[%get3A_377, %get3A_378] : memref<256x8192xbf16, #tpu.memory_space<vmem>>, vector<256x256xbf16>
    %dot_general3A_380 = arith.constant dense<0.000000e+00> : vector<256x256xf32>
    %dot_general3A_381 = tpu.matmul %get3A_3, %get3A_379, %dot_general3A_380 {dimension_numbers = #tpu.dot_dimension_numbers<[1], [0], [0], [1], [0, 0, 1, 1], [], []>, transpose_lhs_hint = false} : vector<256x256xf32>, vector<256x256xbf16>, vector<256x256xf32> -> vector<256x256xf32>
    %get3A_382 = arith.constant 0 : index
    %get3A_383 = arith.constant 6400 : index
    %get3A_384 = vector.load %arg5[%get3A_382, %get3A_383] : memref<1x8192xf32, #tpu.memory_space<vmem>>, vector<1x256xf32>
    %add3A_385 = vector.broadcast %broadcast_in_dim3A : vector<256x1xf32> to vector<256x256xf32>
    %add3A_386 = vector.broadcast %get3A_384 : vector<1x256xf32> to vector<256x256xf32>
    %add3A_387 = arith.addf %add3A_385, %add3A_386 : vector<256x256xf32>
    %add3A_388 = arith.addf %add3A_387, %dot_general3A_381 : vector<256x256xf32>
    %swap3A_389 = arith.constant 0 : index
    %swap3A_390 = arith.constant 6400 : index
    %swap3A_391 = vector.load %arg6[%swap3A_389, %swap3A_390] : memref<256x8192xf32, #tpu.memory_space<vmem>>, vector<256x256xf32>
    tpu.vector_store %arg6[%swap3A_389, %swap3A_390], %add3A_388 {strides = array<i32>} : memref<256x8192xf32, #tpu.memory_space<vmem>>, vector<256x256xf32>,
    %get3A_392 = arith.constant 0 : index
    %get3A_393 = arith.constant 6656 : index
    %get3A_394 = vector.load %arg3[%get3A_392, %get3A_393] : memref<256x8192xbf16, #tpu.memory_space<vmem>>, vector<256x256xbf16>
    %dot_general3A_395 = arith.constant dense<0.000000e+00> : vector<256x256xf32>
    %dot_general3A_396 = tpu.matmul %get3A_3, %get3A_394, %dot_general3A_395 {dimension_numbers = #tpu.dot_dimension_numbers<[1], [0], [0], [1], [0, 0, 1, 1], [], []>, transpose_lhs_hint = false} : vector<256x256xf32>, vector<256x256xbf16>, vector<256x256xf32> -> vector<256x256xf32>
    %get3A_397 = arith.constant 0 : index
    %get3A_398 = arith.constant 6656 : index
    %get3A_399 = vector.load %arg5[%get3A_397, %get3A_398] : memref<1x8192xf32, #tpu.memory_space<vmem>>, vector<1x256xf32>
    %add3A_400 = vector.broadcast %broadcast_in_dim3A : vector<256x1xf32> to vector<256x256xf32>
    %add3A_401 = vector.broadcast %get3A_399 : vector<1x256xf32> to vector<256x256xf32>
    %add3A_402 = arith.addf %add3A_400, %add3A_401 : vector<256x256xf32>
    %add3A_403 = arith.addf %add3A_402, %dot_general3A_396 : vector<256x256xf32>
    %swap3A_404 = arith.constant 0 : index
    %swap3A_405 = arith.constant 6656 : index
    %swap3A_406 = vector.load %arg6[%swap3A_404, %swap3A_405] : memref<256x8192xf32, #tpu.memory_space<vmem>>, vector<256x256xf32>
    tpu.vector_store %arg6[%swap3A_404, %swap3A_405], %add3A_403 {strides = array<i32>} : memref<256x8192xf32, #tpu.memory_space<vmem>>, vector<256x256xf32>,
    %get3A_407 = arith.constant 0 : index
    %get3A_408 = arith.constant 6912 : index
    %get3A_409 = vector.load %arg3[%get3A_407, %get3A_408] : memref<256x8192xbf16, #tpu.memory_space<vmem>>, vector<256x256xbf16>
    %dot_general3A_410 = arith.constant dense<0.000000e+00> : vector<256x256xf32>
    %dot_general3A_411 = tpu.matmul %get3A_3, %get3A_409, %dot_general3A_410 {dimension_numbers = #tpu.dot_dimension_numbers<[1], [0], [0], [1], [0, 0, 1, 1], [], []>, transpose_lhs_hint = false} : vector<256x256xf32>, vector<256x256xbf16>, vector<256x256xf32> -> vector<256x256xf32>
    %get3A_412 = arith.constant 0 : index
    %get3A_413 = arith.constant 6912 : index
    %get3A_414 = vector.load %arg5[%get3A_412, %get3A_413] : memref<1x8192xf32, #tpu.memory_space<vmem>>, vector<1x256xf32>
    %add3A_415 = vector.broadcast %broadcast_in_dim3A : vector<256x1xf32> to vector<256x256xf32>
    %add3A_416 = vector.broadcast %get3A_414 : vector<1x256xf32> to vector<256x256xf32>
    %add3A_417 = arith.addf %add3A_415, %add3A_416 : vector<256x256xf32>
    %add3A_418 = arith.addf %add3A_417, %dot_general3A_411 : vector<256x256xf32>
    %swap3A_419 = arith.constant 0 : index
    %swap3A_420 = arith.constant 6912 : index
    %swap3A_421 = vector.load %arg6[%swap3A_419, %swap3A_420] : memref<256x8192xf32, #tpu.memory_space<vmem>>, vector<256x256xf32>
    tpu.vector_store %arg6[%swap3A_419, %swap3A_420], %add3A_418 {strides = array<i32>} : memref<256x8192xf32, #tpu.memory_space<vmem>>, vector<256x256xf32>,
    %get3A_422 = arith.constant 0 : index
    %get3A_423 = arith.constant 7168 : index
    %get3A_424 = vector.load %arg3[%get3A_422, %get3A_423] : memref<256x8192xbf16, #tpu.memory_space<vmem>>, vector<256x256xbf16>
    %dot_general3A_425 = arith.constant dense<0.000000e+00> : vector<256x256xf32>
    %dot_general3A_426 = tpu.matmul %get3A_3, %get3A_424, %dot_general3A_425 {dimension_numbers = #tpu.dot_dimension_numbers<[1], [0], [0], [1], [0, 0, 1, 1], [], []>, transpose_lhs_hint = false} : vector<256x256xf32>, vector<256x256xbf16>, vector<256x256xf32> -> vector<256x256xf32>
    %get3A_427 = arith.constant 0 : index
    %get3A_428 = arith.constant 7168 : index
    %get3A_429 = vector.load %arg5[%get3A_427, %get3A_428] : memref<1x8192xf32, #tpu.memory_space<vmem>>, vector<1x256xf32>
    %add3A_430 = vector.broadcast %broadcast_in_dim3A : vector<256x1xf32> to vector<256x256xf32>
    %add3A_431 = vector.broadcast %get3A_429 : vector<1x256xf32> to vector<256x256xf32>
    %add3A_432 = arith.addf %add3A_430, %add3A_431 : vector<256x256xf32>
    %add3A_433 = arith.addf %add3A_432, %dot_general3A_426 : vector<256x256xf32>
    %swap3A_434 = arith.constant 0 : index
    %swap3A_435 = arith.constant 7168 : index
    %swap3A_436 = vector.load %arg6[%swap3A_434, %swap3A_435] : memref<256x8192xf32, #tpu.memory_space<vmem>>, vector<256x256xf32>
    tpu.vector_store %arg6[%swap3A_434, %swap3A_435], %add3A_433 {strides = array<i32>} : memref<256x8192xf32, #tpu.memory_space<vmem>>, vector<256x256xf32>,
    %get3A_437 = arith.constant 0 : index
    %get3A_438 = arith.constant 7424 : index
    %get3A_439 = vector.load %arg3[%get3A_437, %get3A_438] : memref<256x8192xbf16, #tpu.memory_space<vmem>>, vector<256x256xbf16>
    %dot_general3A_440 = arith.constant dense<0.000000e+00> : vector<256x256xf32>
    %dot_general3A_441 = tpu.matmul %get3A_3, %get3A_439, %dot_general3A_440 {dimension_numbers = #tpu.dot_dimension_numbers<[1], [0], [0], [1], [0, 0, 1, 1], [], []>, transpose_lhs_hint = false} : vector<256x256xf32>, vector<256x256xbf16>, vector<256x256xf32> -> vector<256x256xf32>
    %get3A_442 = arith.constant 0 : index
    %get3A_443 = arith.constant 7424 : index
    %get3A_444 = vector.load %arg5[%get3A_442, %get3A_443] : memref<1x8192xf32, #tpu.memory_space<vmem>>, vector<1x256xf32>
    %add3A_445 = vector.broadcast %broadcast_in_dim3A : vector<256x1xf32> to vector<256x256xf32>
    %add3A_446 = vector.broadcast %get3A_444 : vector<1x256xf32> to vector<256x256xf32>
    %add3A_447 = arith.addf %add3A_445, %add3A_446 : vector<256x256xf32>
    %add3A_448 = arith.addf %add3A_447, %dot_general3A_441 : vector<256x256xf32>
    %swap3A_449 = arith.constant 0 : index
    %swap3A_450 = arith.constant 7424 : index
    %swap3A_451 = vector.load %arg6[%swap3A_449, %swap3A_450] : memref<256x8192xf32, #tpu.memory_space<vmem>>, vector<256x256xf32>
    tpu.vector_store %arg6[%swap3A_449, %swap3A_450], %add3A_448 {strides = array<i32>} : memref<256x8192xf32, #tpu.memory_space<vmem>>, vector<256x256xf32>,
    %get3A_452 = arith.constant 0 : index
    %get3A_453 = arith.constant 7680 : index
    %get3A_454 = vector.load %arg3[%get3A_452, %get3A_453] : memref<256x8192xbf16, #tpu.memory_space<vmem>>, vector<256x256xbf16>
    %dot_general3A_455 = arith.constant dense<0.000000e+00> : vector<256x256xf32>
    %dot_general3A_456 = tpu.matmul %get3A_3, %get3A_454, %dot_general3A_455 {dimension_numbers = #tpu.dot_dimension_numbers<[1], [0], [0], [1], [0, 0, 1, 1], [], []>, transpose_lhs_hint = false} : vector<256x256xf32>, vector<256x256xbf16>, vector<256x256xf32> -> vector<256x256xf32>
    %get3A_457 = arith.constant 0 : index
    %get3A_458 = arith.constant 7680 : index
    %get3A_459 = vector.load %arg5[%get3A_457, %get3A_458] : memref<1x8192xf32, #tpu.memory_space<vmem>>, vector<1x256xf32>
    %add3A_460 = vector.broadcast %broadcast_in_dim3A : vector<256x1xf32> to vector<256x256xf32>
    %add3A_461 = vector.broadcast %get3A_459 : vector<1x256xf32> to vector<256x256xf32>
    %add3A_462 = arith.addf %add3A_460, %add3A_461 : vector<256x256xf32>
    %add3A_463 = arith.addf %add3A_462, %dot_general3A_456 : vector<256x256xf32>
    %swap3A_464 = arith.constant 0 : index
    %swap3A_465 = arith.constant 7680 : index
    %swap3A_466 = vector.load %arg6[%swap3A_464, %swap3A_465] : memref<256x8192xf32, #tpu.memory_space<vmem>>, vector<256x256xf32>
    tpu.vector_store %arg6[%swap3A_464, %swap3A_465], %add3A_463 {strides = array<i32>} : memref<256x8192xf32, #tpu.memory_space<vmem>>, vector<256x256xf32>,
    %get3A_467 = arith.constant 0 : index
    %get3A_468 = arith.constant 7936 : index
    %get3A_469 = vector.load %arg3[%get3A_467, %get3A_468] : memref<256x8192xbf16, #tpu.memory_space<vmem>>, vector<256x256xbf16>
    %dot_general3A_470 = arith.constant dense<0.000000e+00> : vector<256x256xf32>
    %dot_general3A_471 = tpu.matmul %get3A_3, %get3A_469, %dot_general3A_470 {dimension_numbers = #tpu.dot_dimension_numbers<[1], [0], [0], [1], [0, 0, 1, 1], [], []>, transpose_lhs_hint = false} : vector<256x256xf32>, vector<256x256xbf16>, vector<256x256xf32> -> vector<256x256xf32>
    %get3A_472 = arith.constant 0 : index
    %get3A_473 = arith.constant 7936 : index
    %get3A_474 = vector.load %arg5[%get3A_472, %get3A_473] : memref<1x8192xf32, #tpu.memory_space<vmem>>, vector<1x256xf32>
    %add3A_475 = vector.broadcast %broadcast_in_dim3A : vector<256x1xf32> to vector<256x256xf32>
    %add3A_476 = vector.broadcast %get3A_474 : vector<1x256xf32> to vector<256x256xf32>
    %add3A_477 = arith.addf %add3A_475, %add3A_476 : vector<256x256xf32>
    %add3A_478 = arith.addf %add3A_477, %dot_general3A_471 : vector<256x256xf32>
    %swap3A_479 = arith.constant 0 : index
    %swap3A_480 = arith.constant 7936 : index
    %swap3A_481 = vector.load %arg6[%swap3A_479, %swap3A_480] : memref<256x8192xf32, #tpu.memory_space<vmem>>, vector<256x256xf32>
    tpu.vector_store %arg6[%swap3A_479, %swap3A_480], %add3A_478 {strides = array<i32>} : memref<256x8192xf32, #tpu.memory_space<vmem>>, vector<256x256xf32>,
    %get3A_482 = arith.constant 0 : index
    %get3A_483 = arith.constant 0 : index
    %get3A_484 = vector.load %arg6[%get3A_482, %get3A_483] : memref<256x8192xf32, #tpu.memory_space<vmem>>, vector<256x8192xf32>
    %reduce_min3A = arith.constant dense<0x7F800000> : vector<256xf32>
    %reduce_min3A_485 = vector.multi_reduction <minimumf>, %get3A_484, %reduce_min3A [1] : vector<256x8192xf32> to vector<256xf32>
    %broadcast_in_dim3A_486 = vector.shape_cast %reduce_min3A_485 : vector<256xf32> to vector<256x1xf32>
    %max3A = arith.constant 0.000000e+00 : f32
    %max3A_487 = vector.broadcast %max3A : f32 to vector<256x1xf32>
    %max3A_488 = arith.maximumf %broadcast_in_dim3A_486, %max3A_487 : vector<256x1xf32>
    %sqrt3A = math.sqrt %max3A_488 : vector<256x1xf32>
    %bitcast_convert_type3A = tpu.bitcast %max3A_488 : vector<256x1xf32> -> vector<256x1xi32>
    %add3A_489 = arith.constant 1 : i32
    %add3A_490 = vector.broadcast %add3A_489 : i32 to vector<256x1xi32>
    %add3A_491 = arith.addi %bitcast_convert_type3A, %add3A_490 : vector<256x1xi32>
    %bitcast_convert_type3A_492 = tpu.bitcast %add3A_491 : vector<256x1xi32> -> vector<256x1xf32>
    %max3A_493 = arith.constant 0.000000e+00 : f32
    %max3A_494 = vector.broadcast %max3A_493 : f32 to vector<256x1xf32>
    %max3A_495 = arith.maximumf %bitcast_convert_type3A_492, %max3A_494 : vector<256x1xf32>
    %sqrt3A_496 = math.sqrt %max3A_495 : vector<256x1xf32>
    %eq3A_497 = arith.cmpf oeq, %sqrt3A_496, %sqrt3A : vector<256x1xf32>
    %select_n3A = arith.select %eq3A_497, %bitcast_convert_type3A_492, %max3A_488 : vector<256x1xi1>, vector<256x1xf32>
    %add3A_498 = arith.constant 2 : i32
    %add3A_499 = vector.broadcast %add3A_498 : i32 to vector<256x1xi32>
    %add3A_500 = arith.addi %bitcast_convert_type3A, %add3A_499 : vector<256x1xi32>
    %bitcast_convert_type3A_501 = tpu.bitcast %add3A_500 : vector<256x1xi32> -> vector<256x1xf32>
    %max3A_502 = arith.constant 0.000000e+00 : f32
    %max3A_503 = vector.broadcast %max3A_502 : f32 to vector<256x1xf32>
    %max3A_504 = arith.maximumf %bitcast_convert_type3A_501, %max3A_503 : vector<256x1xf32>
    %sqrt3A_505 = math.sqrt %max3A_504 : vector<256x1xf32>
    %eq3A_506 = arith.cmpf oeq, %sqrt3A_505, %sqrt3A : vector<256x1xf32>
    %select_n3A_507 = arith.select %eq3A_506, %bitcast_convert_type3A_501, %select_n3A : vector<256x1xi1>, vector<256x1xf32>
    %add3A_508 = arith.constant 3 : i32
    %add3A_509 = vector.broadcast %add3A_508 : i32 to vector<256x1xi32>
    %add3A_510 = arith.addi %bitcast_convert_type3A, %add3A_509 : vector<256x1xi32>
    %bitcast_convert_type3A_511 = tpu.bitcast %add3A_510 : vector<256x1xi32> -> vector<256x1xf32>
    %max3A_512 = arith.constant 0.000000e+00 : f32
    %max3A_513 = vector.broadcast %max3A_512 : f32 to vector<256x1xf32>
    %max3A_514 = arith.maximumf %bitcast_convert_type3A_511, %max3A_513 : vector<256x1xf32>
    %sqrt3A_515 = math.sqrt %max3A_514 : vector<256x1xf32>
    %eq3A_516 = arith.cmpf oeq, %sqrt3A_515, %sqrt3A : vector<256x1xf32>
    %select_n3A_517 = arith.select %eq3A_516, %bitcast_convert_type3A_511, %select_n3A_507 : vector<256x1xi1>, vector<256x1xf32>
    %add3A_518 = arith.constant 4 : i32
    %add3A_519 = vector.broadcast %add3A_518 : i32 to vector<256x1xi32>
    %add3A_520 = arith.addi %bitcast_convert_type3A, %add3A_519 : vector<256x1xi32>
    %bitcast_convert_type3A_521 = tpu.bitcast %add3A_520 : vector<256x1xi32> -> vector<256x1xf32>
    %max3A_522 = arith.constant 0.000000e+00 : f32
    %max3A_523 = vector.broadcast %max3A_522 : f32 to vector<256x1xf32>
    %max3A_524 = arith.maximumf %bitcast_convert_type3A_521, %max3A_523 : vector<256x1xf32>
    %sqrt3A_525 = math.sqrt %max3A_524 : vector<256x1xf32>
    %eq3A_526 = arith.cmpf oeq, %sqrt3A_525, %sqrt3A : vector<256x1xf32>
    %select_n3A_527 = arith.select %eq3A_526, %bitcast_convert_type3A_521, %select_n3A_517 : vector<256x1xi1>, vector<256x1xf32>
    %add3A_528 = arith.constant 5 : i32
    %add3A_529 = vector.broadcast %add3A_528 : i32 to vector<256x1xi32>
    %add3A_530 = arith.addi %bitcast_convert_type3A, %add3A_529 : vector<256x1xi32>
    %bitcast_convert_type3A_531 = tpu.bitcast %add3A_530 : vector<256x1xi32> -> vector<256x1xf32>
    %max3A_532 = arith.constant 0.000000e+00 : f32
    %max3A_533 = vector.broadcast %max3A_532 : f32 to vector<256x1xf32>
    %max3A_534 = arith.maximumf %bitcast_convert_type3A_531, %max3A_533 : vector<256x1xf32>
    %sqrt3A_535 = math.sqrt %max3A_534 : vector<256x1xf32>
    %eq3A_536 = arith.cmpf oeq, %sqrt3A_535, %sqrt3A : vector<256x1xf32>
    %select_n3A_537 = arith.select %eq3A_536, %bitcast_convert_type3A_531, %select_n3A_527 : vector<256x1xi1>, vector<256x1xf32>
    %add3A_538 = arith.constant 6 : i32
    %add3A_539 = vector.broadcast %add3A_538 : i32 to vector<256x1xi32>
    %add3A_540 = arith.addi %bitcast_convert_type3A, %add3A_539 : vector<256x1xi32>
    %bitcast_convert_type3A_541 = tpu.bitcast %add3A_540 : vector<256x1xi32> -> vector<256x1xf32>
    %max3A_542 = arith.constant 0.000000e+00 : f32
    %max3A_543 = vector.broadcast %max3A_542 : f32 to vector<256x1xf32>
    %max3A_544 = arith.maximumf %bitcast_convert_type3A_541, %max3A_543 : vector<256x1xf32>
    %sqrt3A_545 = math.sqrt %max3A_544 : vector<256x1xf32>
    %eq3A_546 = arith.cmpf oeq, %sqrt3A_545, %sqrt3A : vector<256x1xf32>
    %select_n3A_547 = arith.select %eq3A_546, %bitcast_convert_type3A_541, %select_n3A_537 : vector<256x1xi1>, vector<256x1xf32>
    %add3A_548 = arith.constant 7 : i32
    %add3A_549 = vector.broadcast %add3A_548 : i32 to vector<256x1xi32>
    %add3A_550 = arith.addi %bitcast_convert_type3A, %add3A_549 : vector<256x1xi32>
    %bitcast_convert_type3A_551 = tpu.bitcast %add3A_550 : vector<256x1xi32> -> vector<256x1xf32>
    %max3A_552 = arith.constant 0.000000e+00 : f32
    %max3A_553 = vector.broadcast %max3A_552 : f32 to vector<256x1xf32>
    %max3A_554 = arith.maximumf %bitcast_convert_type3A_551, %max3A_553 : vector<256x1xf32>
    %sqrt3A_555 = math.sqrt %max3A_554 : vector<256x1xf32>
    %eq3A_556 = arith.cmpf oeq, %sqrt3A_555, %sqrt3A : vector<256x1xf32>
    %select_n3A_557 = arith.select %eq3A_556, %bitcast_convert_type3A_551, %select_n3A_547 : vector<256x1xi1>, vector<256x1xf32>
    %add3A_558 = arith.constant 8 : i32
    %add3A_559 = vector.broadcast %add3A_558 : i32 to vector<256x1xi32>
    %add3A_560 = arith.addi %bitcast_convert_type3A, %add3A_559 : vector<256x1xi32>
    %bitcast_convert_type3A_561 = tpu.bitcast %add3A_560 : vector<256x1xi32> -> vector<256x1xf32>
    %max3A_562 = arith.constant 0.000000e+00 : f32
    %max3A_563 = vector.broadcast %max3A_562 : f32 to vector<256x1xf32>
    %max3A_564 = arith.maximumf %bitcast_convert_type3A_561, %max3A_563 : vector<256x1xf32>
    %sqrt3A_565 = math.sqrt %max3A_564 : vector<256x1xf32>
    %eq3A_566 = arith.cmpf oeq, %sqrt3A_565, %sqrt3A : vector<256x1xf32>
    %select_n3A_567 = arith.select %eq3A_566, %bitcast_convert_type3A_561, %select_n3A_557 : vector<256x1xi1>, vector<256x1xf32>
    %iota3A = tpu.iota {dimensions = array<i32: 1>} : vector<256x8192xi32>
    %convert_element_type3A_568 = arith.sitofp %iota3A : vector<256x8192xi32> to vector<256x8192xf32>
    %get3A_569 = arith.constant 0 : index
    %get3A_570 = arith.constant 0 : index
    %get3A_571 = vector.load %arg6[%get3A_569, %get3A_570] : memref<256x8192xf32, #tpu.memory_space<vmem>>, vector<256x8192xf32>
    %le3A = vector.broadcast %select_n3A_567 : vector<256x1xf32> to vector<256x8192xf32>
    %le3A_572 = arith.cmpf ole, %get3A_571, %le3A : vector<256x8192xf32>
    %jit3A = arith.constant 8.192000e+03 : f32
    %broadcast_in_dim3A_573 = vector.broadcast %jit3A : f32 to vector<256x8192xf32>
    %select_n3A_574 = arith.select %le3A_572, %convert_element_type3A_568, %broadcast_in_dim3A_573 : vector<256x8192xi1>, vector<256x8192xf32>
    %reduce_min3A_575 = arith.constant dense<0x7F800000> : vector<256xf32>
    %reduce_min3A_576 = vector.multi_reduction <minimumf>, %select_n3A_574, %reduce_min3A_575 [1] : vector<256x8192xf32> to vector<256xf32>
    %convert_element_type3A_577 = arith.fptosi %reduce_min3A_576 : vector<256xf32> to vector<256xi32>
    %reshape3A = vector.shape_cast %convert_element_type3A_577 : vector<256xi32> to vector<256x1xi32>
    %swap3A_578 = arith.constant 0 : index
    %swap3A_579 = arith.constant 0 : index
    %swap3A_580 = vector.load %arg4[%swap3A_578, %swap3A_579] : memref<256x1xi32, #tpu.memory_space<vmem>>, vector<256x1xi32>
    tpu.vector_store %arg4[%swap3A_578, %swap3A_579], %reshape3A {strides = array<i32>} : memref<256x1xi32, #tpu.memory_space<vmem>>, vector<256x1xi32>,
    return
  }
  func.func @transform_0(%arg0: i32) -> (i32, i32) {
    %c0_i32 = arith.constant 0 : i32
    %c0_i32_0 = arith.constant 0 : i32
    return %arg0, %c0_i32 : i32, i32
  }
  func.func @transform_1(%arg0: i32) -> (i32, i32) {
    %c0_i32 = arith.constant 0 : i32
    %c0_i32_0 = arith.constant 0 : i32
    %c0_i32_1 = arith.constant 0 : i32
    return %c0_i32, %c0_i32_0 : i32, i32
  }
  func.func @transform_2(%arg0: i32) -> (i32, i32) {
    %c0_i32 = arith.constant 0 : i32
    %c0_i32_0 = arith.constant 0 : i32
    %c0_i32_1 = arith.constant 0 : i32
    return %c0_i32, %c0_i32_0 : i32, i32
  }
  func.func @transform_3(%arg0: i32) -> (i32, i32) {
    %c0_i32 = arith.constant 0 : i32
    %c0_i32_0 = arith.constant 0 : i32
    return %arg0, %c0_i32 : i32, i32
  }
}

</mosaic_0001>

<sc_bundles>
// kernel: kernel.4.cloned.1.call-start
scs
__scs_entry_jumppad:
0x0: {  	(pc) =	sbr.rel $0x88, $3  }
0x1: {  	(tag) =	ssettag $0x0;
	lr =	simm.s32 $0x1  }
0x2: {  	[smem:$0x3F9F] =	sst lr;
	_ =	strace $0xD0000000  }
0x3: {  	_ = 	snop  }
0x4: {  	_ = 	snop  }
0x5: {  	_ = 	snop  }
0x6: {  	_ = 	snop  }
0x7: {  	_ = 	snop  }
__scs_overlays_trampoline_lowered:
0x8: {  	[smem:$0x3FAE] =	sst s0  }
0x9: {  	[smem:$0x3FAF] =	sst s1  }
0xa: {  	[smem:$0x3FB0] =	sst s2  }
0xb: {  	[smem:$0x3FB1] =	sst s3  }
0xc: {  	[smem:$0x3FB2] =	sst s4  }
0xd: {  	[smem:$0x3FB3] =	sst s5  }
0xe: {  	[smem:$0x3FB4] =	sst s6  }
0xf: {  	[smem:$0x3FB5] =	sst s7  }
0x10: {  	[smem:$0x3FB6] =	sst s8  }
0x11: {  	[smem:$0x3FB7] =	sst s9;
	s0 =	simm.s32 @!p0 $0x0  }
0x12: {  	s1 =	sld [smem:$0x3F9D];
	s0 =	simm.s32 @p0 $0x1  }
0x13: {  	[smem:$0x3FB8] =	sst s0;
	s0 =	simm.s32 @!p1 $0x0  }
0x14: {  	s2 =	sld [smem:$0x3F9C];
	s0 =	simm.s32 @p1 $0x1  }
0x15: {  	[smem:$0x3FB9] =	sst s0;
	s0 =	simm.s32 @!p2 $0x0  }
0x16: {  	s3 =	sld [smem:$0x3FDB];
	s0 =	simm.s32 @p2 $0x1  }
0x17: {  	s4 =	simm.s32 $0x1BF5;
	[smem:$0x3FBB] =	sst s0  }
0x18: {  	s0 =	sld [smem:$0x3F9E];
	_ =	swait.ge [sflag:s4], $0x0  }
0x19: {  	s7 =	sld [smem:$0x3F9F]  }
0x1a: {  	s8 =	sadd.s32 $0xFFFFE003, lr  }
0x1b: {  	s9 =	sadd.s32 $0xFFFFFEF7, lr;
	s5 =	simm.s32 $0xFFFFFFFF;
	p2 =	slt.u32 s8, $0xFFFFF086  }
0x1c: {  	p1 =	slt.u32 s9, $0xF7A;
	s5 =	simm.s32 @!p2 $0x0  }
0x1d: {  	s5 =	simm.s32 @p1 $0x1;
	p0 =	seq.s32 s7, s2  }
0x1e: {  	s7 =	smul.u32 @!p0 $0xF7A, s2;
	p2 =	seq.s32 @!p0 s5, $0x0  }
0x1f: {  	s9 =	smul.u32 $0xF7A, s1;
	s8 =	simm.s32 @!p0 $0x1BF5;
	p2 =	por !p2, p0  }
0x20: {  	[sflag:s8] =	ssyncset.s32 @!p0 $0xFFFFF086;
	s6 =	sadd.s32 @!p0 s3, s7;
	s7 =	simm.s32 @!p0 $0x108  }
0x21: {  	s3 =	sadd.s32 s3, s9;
	s6 =	sadd.s32 @!p0 $0x88, s6;
	s7 =	simm.s32 @p2 $0x1082  }
0x22: {  	[simem:s7], [sflag:s8] =	dma.local @!p0 [hbm:s6], $0xF7A  }
0x23: {  	s9 =	sor.u32 $0xD0000000, s2;
	s6 =	simm.s32 $0x108;
	_ =	swait.ge @!p0 [sflag:s8], $0x0  }
0x24: {  	s3 =	sadd.s32 $0x88, s3;
	s6 =	simm.s32 @!p1 $0x1082;
	[sflag:s4] =	ssyncset.s32 $0xFFFFF086  }
0x25: {  	[simem:s6], [sflag:s4] =	dma.local [hbm:s3], $0xF7A  }
0x26: {  	[smem:$0x3F9F] =	sst s1;
	(tag) =	ssettag s2;
	_ =	strace s9  }
0x27: {  	s1 =	sld [smem:$0x3FAF]  }
0x28: {  	s2 =	sld [smem:$0x3FB0]  }
0x29: {  	s4 =	sld [smem:$0x3FB2]  }
0x2a: {  	p0 =	seq.s32 s5, $0x0;
	s5 =	sld [smem:$0x3FB3]  }
0x2b: {  	s6 =	sld [smem:$0x3FB4]  }
0x2c: {  	s7 =	sld [smem:$0x3FB5]  }
0x2d: {  	s3 =	simm.s32 $0x108;
	s8 =	sld [smem:$0x3FB6]  }
0x2e: {  	s3 =	simm.s32 @!p0 $0x1082;
	s9 =	sld [smem:$0x3FB7]  }
0x2f: {  	lr =	sadd.s32 s0, s3;
	s0 =	sld [smem:$0x3FAE]  }
0x30: {  	s3 =	sld [smem:$0x3FB1]  }
0x31: {  	[smem:$0x3FBA] =	sst s10  }
0x32: {  	s10 =	sld [smem:$0x3FB8];
	_ =	sdelay $0x3  }
0x33: {  	p0 =	seq.s32 s10, $0x1;
	s10 =	sld [smem:$0x3FBA];
	_ =	sdelay $0x3  }
0x34: {  	[smem:$0x3FBA] =	sst s10  }
0x35: {  	s10 =	sld [smem:$0x3FB9];
	_ =	sdelay $0x3  }
0x36: {  	p1 =	seq.s32 s10, $0x1;
	s10 =	sld [smem:$0x3FBA];
	_ =	sdelay $0x3  }
0x37: {  	[smem:$0x3FBA] =	sst s10  }
0x38: {  	s10 =	sld [smem:$0x3FBB]  }
0x39: {  	_ = 	snop;
	(pc) =	sbr.ind lr, $3  }
0x3a: {  	_ = 	snop  }
0x3b: {  	_ = 	snop  }
0x3c: {  	p2 =	seq.s32 s10, $0x1;
	s10 =	sld [smem:$0x3FBA]  }
0x3d: {  	_ =	shalt  }
0x3e: {  	_ =	shalt  }
0x3f: {  	_ =	shalt  }
0x40: {  	_ =	shalt  }
0x41: {  	_ =	shalt  }
0x42: {  	_ =	shalt  }
0x43: {  	_ =	shalt  }
0x44: {  	_ =	shalt  }
0x45: {  	_ =	shalt  }
0x46: {  	_ =	shalt  }
0x47: {  	_ =	shalt  }
0x48: {  	_ =	shalt  }
0x49: {  	_ =	shalt  }
0x4a: {  	_ =	shalt  }
0x4b: {  	_ =	shalt  }
0x4c: {  	_ =	shalt  }
0x4d: {  	_ =	shalt  }
0x4e: {  	_ =	shalt  }
0x4f: {  	_ =	shalt  }
0x50: {  	_ =	shalt  }
0x51: {  	_ =	shalt  }
0x52: {  	_ =	shalt  }
0x53: {  	_ =	shalt  }
0x54: {  	_ =	shalt  }
0x55: {  	_ =	shalt  }
0x56: {  	_ =	shalt  }
0x57: {  	_ =	shalt  }
0x58: {  	_ =	shalt  }
0x59: {  	_ =	shalt  }
0x5a: {  	_ =	shalt  }
0x5b: {  	_ =	shalt  }
0x5c: {  	_ =	shalt  }
0x5d: {  	_ =	shalt  }
0x5e: {  	_ =	shalt  }
0x5f: {  	_ =	shalt  }
0x60: {  	_ =	shalt  }
0x61: {  	_ =	shalt  }
0x62: {  	_ =	shalt  }
0x63: {  	_ =	shalt  }
0x64: {  	_ =	shalt  }
0x65: {  	_ =	shalt  }
0x66: {  	_ =	shalt  }
0x67: {  	_ =	shalt  }
0x68: {  	_ =	shalt  }
0x69: {  	_ =	shalt  }
0x6a: {  	_ =	shalt  }
0x6b: {  	_ =	shalt  }
0x6c: {  	_ =	shalt  }
0x6d: {  	_ =	shalt  }
0x6e: {  	_ =	shalt  }
0x6f: {  	_ =	shalt  }
0x70: {  	_ =	shalt  }
0x71: {  	_ =	shalt  }
0x72: {  	_ =	shalt  }
0x73: {  	_ =	shalt  }
0x74: {  	_ =	shalt  }
0x75: {  	_ =	shalt  }
0x76: {  	_ =	shalt  }
0x77: {  	_ =	shalt  }
0x78: {  	_ =	shalt  }
0x79: {  	_ =	shalt  }
0x7a: {  	_ =	shalt  }
0x7b: {  	_ =	shalt  }
0x7c: {  	_ =	shalt  }
0x7d: {  	_ =	shalt  }
0x7e: {  	_ =	shalt  }
0x7f: {  	_ =	shalt  }
0x80: {  	_ =	shalt  }
0x81: {  	_ =	shalt  }
0x82: {  	_ =	shalt  }
0x83: {  	_ =	shalt  }
0x84: {  	_ =	shalt  }
0x85: {  	_ =	shalt  }
0x86: {  	_ =	shalt  }
0x87: {  	_ =	shalt  }
.Lfunc_end0:
.L_simem_size_0:
called_computation_lowered:
.L_overlay_start_0:
0x88: {  	s2 =	sld [smem:$0x3FD9]  }
0x89: {  	s3 =	sld [smem:$0x3FFE];
	_ =	sdelay $0x1  }
0x8a: {  	s1 =	srdreg.scid  }
0x8b: {  	s0 =	sand.u32 $0x1, s1  }
0x8c: {  	s17 =	sshll.u32 s0, $0xA;
	s2 =	sadd.s32 s3, s2  }
0x8d: {  	s2 =	sadd.s32 s2, s17  }
0x8e: {  	[smem:$0x3FC6] =	sst s2  }
0x8f: {  	_ = 	snop  }
0x90: {  	s2 =	sld [smem:$0x3FC8]  }
0x91: {  	s18 =	sld [smem:$0x3FD0];
	(tm) =	ssettm $0x1  }
0x92: {  	s4 =	sld [smem:$0x3FFB];
	_ =	sdelay $0x3  }
0x93: {  	_ =	strace s4  }
0x94: {  	s4 =	sld [smem:$0x3FFC];
	_ =	sdelay $0x3  }
0x95: {  	_ =	strace s4  }
0x96: {  	s4 =	sld [smem:$0x3FFD];
	_ =	sdelay $0x3  }
0x97: {  	_ =	strace s4  }
0x98: {  	_ =	strace $0x8FFFFFFF  }
0x99: {  	s19 =	sld [smem:$0x3FDB];
	_ =	sdelay $0x1  }
0x9a: {  	s5 =	simm.s32 $_scs_section_size  }
0x9b: {  	s6 =	simm.s32 $_size__tile_overlayer_lowered;
	s7 =	simm.s32 $_tile_overlayer_lowered  }
0x9c: {  	s22 =	simm.s32 $0x1BFF;
	s21 =	sshll.u32 s7, $0x1;
	s4 =	sadd.s32 s5, s19  }
0x9d: {  	s8 =	simm.s32 $0x0;
	s20 =	sshll.u32 s6, $0x1;
	s6 =	sadd.s32 s21, s4  }
0x9e: {  	[timem:s8], [sflag:s22] =	dma.local [hbm:s6], s20  }
0x9f: {  	_ =	swait.ge [sflag:s22], s20  }
0xa0: {  	s5 =	ssub.s32 $0x0, s20;
	[sflag:s22] =	ssyncset.done $0x0  }
0xa1: {  	[sflag:s22] =	ssyncadd.s32 s5;
	_ =	sdelay $0x1  }
0xa2: {  	s23 =	simm.s32 $0x1B8B  }
0xa3: {  	_ =	swait.ge [sflag:s23], $0x1  }
0xa4: {  	[sflag:s23] =	ssyncset.done $0x0  }
0xa5: {  	s25 =	simm.s32 $0x1B8E;
	s24 =	sld [smem:$0x3FFE];
	[sflag:s23] =	ssyncadd.s32 $0xFFFFFFFF  }
0xa6: {  	s26 =	simm.s32 $execute0_lowered;
	[smem:$0x3FD2] =	sst s25  }
0xa7: {  	s6 =	sshll.u32 s26, $0x1;
	_ =	strace $0x80000046;
	[dreg:$0x1] =	wrdreg $0xFFFFFFFF  }
0xa8: {  	s28 =	simm.s32 $_size_execute0_lowered;
	s4 =	sadd.s32 s4, s6;
	[dreg:$0x0] =	wrdreg $0x0  }
0xa9: {  	s6 =	sshll.u32 s28, $0x1;
	[dreg:$0x2] =	wrdreg s4  }
0xaa: {  	[dreg:$0x3] =	wrdreg s6  }
0xab: {  	[dreg:$0x4] =	wrdreg $0xC0  }
0xac: {  	_ =	task [dreg:s8], $0x5FFFF  }
0xad: {  	[dreg:$0x1] =	wrdreg $0xFFFFFFFF  }
0xae: {  	[dreg:$0x0] =	wrdreg $0x60  }
0xaf: {  	[dreg:$0x2] =	wrdreg s2  }
0xb0: {  	[dreg:$0x3] =	wrdreg s24  }
0xb1: {  	[dreg:$0x4] =	wrdreg s18  }
0xb2: {  	[dreg:$0x5] =	wrdreg $0x9  }
0xb3: {  	_ =	task.clear_ibuf [dreg:s8], $0x6FFFF;
	_ =	strace $0x90000046  }
0xb4: {  	s29 =	simm.s32 $0x9;
	_ =	strace $0x8000004F  }
0xb5: {  	_ =	swait.ge [sflag:s29], $0x1  }
0xb6: {  	[sflag:s29] =	ssyncadd.s32 $0xFFFFFFFF  }
0xb7: {  	_ =	strace $0x9000004F  }
0xb8: {  	_ =	sfence  }
0xb9: {  	s30 =	sld [smem:$0x0];
	_ =	sdelay $0x2  }
0xba: {  	s31 =	sshll.u32 s1, $0xD;
	s1 =	sshrl.u32 s1, $0x2  }
0xbb: {  	s3 =	sand.u32 $0x4000, s31;
	s1 =	sadd.s32 s1, s30  }
0xbc: {  	s0 =	sor.u32 s3, s0;
	s1 =	sshll.u32 s1, $0x11  }
0xbd: {  	s0 =	sor.u32 s1, s0  }
0xbe: {  	s0 =	sadd.s32 $0x8F2B, s0  }
0xbf: {  	[sflag:s0] =	ssyncadd.remote.s32 $0x1  }
0xc0: {  	_ =	sfence.sel $0xFFFF  }
0xc1: {  	[dreg:$0x0] =	wrdreg $0xFFFFFFFF;
	(pc) =	sbr.abs _section_cstart, $3  }
0xc2: {  	[dreg:$0x1] =	wrdreg $0xFFFFFFFF  }
0xc3: {  	_ =	task.clear_ibuf [dreg:s8], $0x2FFFF;
	_ =	strace $0x9FFFFFFF  }
0xc4: {  	(tm) =	ssettm $0x7FFFFFFF  }
0xc5: {  	_ =	shalt  }
tec
execute0_lowered:
.L_overlay_start_1:
0x0: {  	(tag) =	ssettag $0x1  }
0x1: {  	s1 =	rddreg [dreg:$0x0]  }
0x2: {  	s4 =	rddreg [dreg:$0x1]  }
0x3: {  	s0 =	rddreg [dreg:$0x2]  }
0x4: {  	s3 =	simm.s32 $0x0;
	s2 =	srdreg.scid;
	[dreg:$0x4] =	wrdreg s0  }
0x5: {  	s8 =	simm.s32 $0x5;
	s9 =	simm.s32 $0x4;
	s0 =	rddreg [dreg:$0x3]  }
0x6: {  	s10 =	simm.s32 $0x0;
	[smem:$0x7FF] =	sst s3;
	s5 =	sand.u32 $0x1, s2  }
0x7: {  	s2 =	stileid.u32;
	s6 =	ssub.s32 $0x2, s5;
	s5 =	sshll.u32 s5, $0x4  }
0x8: {  	v2 =	vlaneseq.u32;
	s4 =	sadd.s32 $0x200, s4;
	s7 =	sshrl.u32 s6, $0x1;
	s5 =	sor.u32 s2, s5  }
0x9: {  	vm0 =	vmmov $0xffff;
	v1 =	vshrl.u32 v2, $0x3;
	_ =	strace $0x80000047;
	s7 =	ssub.s32 s6, s7;
	s31 =	sshll.u32 s5, $0x6  }
0xa: {  	v0 =	vand.u32 $0x7, v2;
	v2 =	vor.u32 $0x8, v2;
	v1 =	vmul.u32 $0x8, v1;
	s5 =	sshll.u32 s5, $0x2;
	s6 =	sadd.s32 s4, s31;
	s7 =	smax.u32 s7, $0x1  }
.LBB2_1:
0xb: {  	_ =	strace $0x80000048;
	s11 =	simm.s32 $0x4  }
0xc: {  	s12 =	simm.s32 $0x0;
	s13 =	simm.s32 $0x0;
	s14 =	simm.s32 $0x0  }
0xd: {  	[tilespmem:s3], [sflag:$0x1] =	stream.linear.gather [hbm4b:s6+s3], $0x80, $0x200038;
	[tilespmem:$0x10100] =	vst v63  }
0xe: {  	s15 =	simm.s32 $0x0;
	s16 =	simm.s32 $0x1;
	_ =	strace $0x90000048  }
.LBB2_2:
0xf: {  	s17 =	smov.u32 s12;
	s12 =	sadd.s32 $0x1, s12  }
0x10: {  	p0 =	seq.s32 s12, $0x4  }
0x11: {  	s12 =	simm.s32 @p0 $0x0  }
0x12: {  	p6 =	sne.s32 s11, $0x1;
	p1 =	sne.s32 s17, s12  }
0x13: {  	p0 =	por !p6, !p1  }
0x14: {  	p0 =	por !p0, !p0  }
0x15: {  	s18 =	sadd.s32 @p0 s5, s12  }
0x16: {  	s19 =	sand.u32 @p0 $0x1, s16;
	s18 =	sshll.u32 @p0 s18, $0x4  }
0x17: {  	_ =	strace @p0 $0x80000049;
	s21 =	simm.s32 @p0 $0x0;
	s18 =	sand.u32 @p0 $0x1FFFFFF0, s18  }
0x18: {  	s20 =	sshll.u32 @p0 s19, $0x7;
	s19 =	sadd.s32 @p0 $0x1, s19;
	s18 =	sadd.s32 @p0 s4, s18  }
0x19: {  	[tilespmem:s20], [sflag:s19] =	stream.linear.gather @p0 [hbm4b:s18+s21], $0x80, $0x200038;
	[tilespmem:$0x10100] =	vst v63  }
0x1a: {  	s24 =	sand.u32 $0x1, s15;
	_ =	strace @p0 $0x90000049  }
0x1b: {  	s18 =	sadd.s32 $0x1, s24;
	_ =	strace $0x8000004A  }
0x1c: {  	_ =	swait.ge [sflag:s18], $0x80  }
0x1d: {  	[sflag:s18] =	ssyncset.done $0x0  }
0x1e: {  	[sflag:s18] =	ssyncadd.s32 $0xFFFFFF80  }
0x1f: {  	s25 =	sshll.u32 s15, $0x7;
	_ =	strace $0x9000004A  }
0x20: {  	s21 =	sand.u32 $0x80, s25;
	_ =	strace $0x8000004B  }
0x21: {  	v3 =	vld [tilespmem:s21+$0x0];
	_ =	sdelay $0x4  }
0x22: {  	v4 =	vshll.u32 v3, $0x1  }
0x23: {  	v3 =	vand.u32 $0x7, v3;
	v4 =	vand.u32 $0xFFFFFFF0, v4  }
0x24: {  	v3 =	vor.u32 v3, v4  }
0x25: {  	v4 =	vperm.xlane v3, v0;
	_ =	sdelay $0x1  }
0x26: {  	v3 =	vperm.xlane v3, v2;
	v4 =	vadd.s32 v1, v4;
	_ =	sdelay $0x1  }
0x27: {  	s18 =	sand.u32 $0x1, s14;
	v3 =	vadd.s32 v1, v3  }
0x28: {  	s20 =	sshll.u32 s18, $0xF  }
0x29: {  	s19 =	sor.u32 $0x100, s20  }
0x2a: {  	[tilespmem:s19], [sflag:$0x5] =	stream.indirect_vreg.gather [hbm4b:s1+s3], $0x80, v4, vm0, $0x2000b8;
	[tilespmem:$0x10100] =	vst v63  }
0x2b: {  	s22 =	sor.u32 $0x900, s20  }
0x2c: {  	[tilespmem:s22], [sflag:$0x5] =	stream.indirect_vreg.gather [hbm4b:s1+s3], $0x80, v3, vm0, $0x2000b8;
	[tilespmem:$0x10100] =	vst v63  }
0x2d: {  	v3 =	vld [tilespmem:s21+$0x10];
	_ =	sdelay $0x4  }
0x2e: {  	v57 =	vshll.u32 v3, $0x1  }
0x2f: {  	v3 =	vand.u32 $0x7, v3;
	v4 =	vand.u32 $0xFFFFFFF0, v57  }
0x30: {  	v3 =	vor.u32 v3, v4  }
0x31: {  	v4 =	vperm.xlane v3, v0;
	_ =	sdelay $0x1  }
0x32: {  	v3 =	vperm.xlane v3, v2;
	v4 =	vadd.s32 v1, v4;
	_ =	sdelay $0x1  }
0x33: {  	v3 =	vadd.s32 v1, v3;
	_ =	sdelay $0x1  }
0x34: {  	s26 =	sor.u32 $0x1100, s20  }
0x35: {  	[tilespmem:s26], [sflag:$0x5] =	stream.indirect_vreg.gather [hbm4b:s1+s3], $0x80, v4, vm0, $0x2000b8;
	[tilespmem:$0x10100] =	vst v63  }
0x36: {  	s28 =	sor.u32 $0x1900, s20  }
0x37: {  	[tilespmem:s28], [sflag:$0x5] =	stream.indirect_vreg.gather [hbm4b:s1+s3], $0x80, v3, vm0, $0x2000b8;
	[tilespmem:$0x10100] =	vst v63  }
0x38: {  	v3 =	vld [tilespmem:s21+$0x20];
	_ =	sdelay $0x4  }
0x39: {  	v58 =	vshll.u32 v3, $0x1  }
0x3a: {  	v3 =	vand.u32 $0x7, v3;
	v4 =	vand.u32 $0xFFFFFFF0, v58  }
0x3b: {  	v3 =	vor.u32 v3, v4  }
0x3c: {  	v4 =	vperm.xlane v3, v0;
	_ =	sdelay $0x1  }
0x3d: {  	v3 =	vperm.xlane v3, v2;
	v4 =	vadd.s32 v1, v4;
	_ =	sdelay $0x1  }
0x3e: {  	v3 =	vadd.s32 v1, v3;
	_ =	sdelay $0x1  }
0x3f: {  	s29 =	sor.u32 $0x2100, s20  }
0x40: {  	[tilespmem:s29], [sflag:$0x5] =	stream.indirect_vreg.gather [hbm4b:s1+s3], $0x80, v4, vm0, $0x2000b8;
	[tilespmem:$0x10100] =	vst v63  }
0x41: {  	s30 =	sor.u32 $0x2900, s20  }
0x42: {  	[tilespmem:s30], [sflag:$0x5] =	stream.indirect_vreg.gather [hbm4b:s1+s3], $0x80, v3, vm0, $0x2000b8;
	[tilespmem:$0x10100] =	vst v63  }
0x43: {  	v3 =	vld [tilespmem:s21+$0x30];
	_ =	sdelay $0x4  }
0x44: {  	v59 =	vshll.u32 v3, $0x1  }
0x45: {  	v3 =	vand.u32 $0x7, v3;
	v4 =	vand.u32 $0xFFFFFFF0, v59  }
0x46: {  	v3 =	vor.u32 v3, v4  }
0x47: {  	v4 =	vperm.xlane v3, v0;
	_ =	sdelay $0x1  }
0x48: {  	v3 =	vperm.xlane v3, v2;
	v4 =	vadd.s32 v1, v4;
	_ =	sdelay $0x1  }
0x49: {  	v3 =	vadd.s32 v1, v3;
	_ =	sdelay $0x1  }
0x4a: {  	s31 =	sor.u32 $0x3100, s20  }
0x4b: {  	[tilespmem:s31], [sflag:$0x5] =	stream.indirect_vreg.gather [hbm4b:s1+s3], $0x80, v4, vm0, $0x2000b8;
	[tilespmem:$0x10100] =	vst v63  }
0x4c: {  	s23 =	sor.u32 $0x3900, s20  }
0x4d: {  	[tilespmem:s23], [sflag:$0x5] =	stream.indirect_vreg.gather [hbm4b:s1+s3], $0x80, v3, vm0, $0x2000b8;
	[tilespmem:$0x10100] =	vst v63  }
0x4e: {  	v3 =	vld [tilespmem:s21+$0x40];
	_ =	sdelay $0x4  }
0x4f: {  	v60 =	vshll.u32 v3, $0x1  }
0x50: {  	v3 =	vand.u32 $0x7, v3;
	v4 =	vand.u32 $0xFFFFFFF0, v60  }
0x51: {  	v3 =	vor.u32 v3, v4  }
0x52: {  	v4 =	vperm.xlane v3, v0;
	_ =	sdelay $0x1  }
0x53: {  	v3 =	vperm.xlane v3, v2;
	v4 =	vadd.s32 v1, v4;
	_ =	sdelay $0x1  }
0x54: {  	v3 =	vadd.s32 v1, v3;
	_ =	sdelay $0x1  }
0x55: {  	s24 =	sor.u32 $0x4100, s20  }
0x56: {  	[tilespmem:s24], [sflag:$0x5] =	stream.indirect_vreg.gather [hbm4b:s1+s3], $0x80, v4, vm0, $0x2000b8;
	[tilespmem:$0x10100] =	vst v63  }
0x57: {  	s25 =	sor.u32 $0x4900, s20  }
0x58: {  	[tilespmem:s25], [sflag:$0x5] =	stream.indirect_vreg.gather [hbm4b:s1+s3], $0x80, v3, vm0, $0x2000b8;
	[tilespmem:$0x10100] =	vst v63  }
0x59: {  	v3 =	vld [tilespmem:s21+$0x50];
	_ =	sdelay $0x4  }
0x5a: {  	v61 =	vshll.u32 v3, $0x1  }
0x5b: {  	v3 =	vand.u32 $0x7, v3;
	v4 =	vand.u32 $0xFFFFFFF0, v61  }
0x5c: {  	v3 =	vor.u32 v3, v4  }
0x5d: {  	v4 =	vperm.xlane v3, v0;
	_ =	sdelay $0x1  }
0x5e: {  	v3 =	vperm.xlane v3, v2;
	v4 =	vadd.s32 v1, v4;
	_ =	sdelay $0x1  }
0x5f: {  	v3 =	vadd.s32 v1, v3;
	_ =	sdelay $0x1  }
0x60: {  	s26 =	sor.u32 $0x5100, s20  }
0x61: {  	[tilespmem:s26], [sflag:$0x5] =	stream.indirect_vreg.gather [hbm4b:s1+s3], $0x80, v4, vm0, $0x2000b8;
	[tilespmem:$0x10100] =	vst v63  }
0x62: {  	s28 =	sor.u32 $0x5900, s20  }
0x63: {  	[tilespmem:s28], [sflag:$0x5] =	stream.indirect_vreg.gather [hbm4b:s1+s3], $0x80, v3, vm0, $0x2000b8;
	[tilespmem:$0x10100] =	vst v63  }
0x64: {  	v3 =	vld [tilespmem:s21+$0x60];
	_ =	sdelay $0x4  }
0x65: {  	v62 =	vshll.u32 v3, $0x1  }
0x66: {  	v3 =	vand.u32 $0x7, v3;
	v4 =	vand.u32 $0xFFFFFFF0, v62  }
0x67: {  	v3 =	vor.u32 v3, v4  }
0x68: {  	v4 =	vperm.xlane v3, v0;
	_ =	sdelay $0x1  }
0x69: {  	v3 =	vperm.xlane v3, v2;
	v4 =	vadd.s32 v1, v4;
	_ =	sdelay $0x1  }
0x6a: {  	v3 =	vadd.s32 v1, v3;
	_ =	sdelay $0x1  }
0x6b: {  	s29 =	sor.u32 $0x6100, s20  }
0x6c: {  	[tilespmem:s29], [sflag:$0x5] =	stream.indirect_vreg.gather [hbm4b:s1+s3], $0x80, v4, vm0, $0x2000b8;
	[tilespmem:$0x10100] =	vst v63  }
0x6d: {  	s30 =	sor.u32 $0x6900, s20  }
0x6e: {  	[tilespmem:s30], [sflag:$0x5] =	stream.indirect_vreg.gather [hbm4b:s1+s3], $0x80, v3, vm0, $0x2000b8;
	[tilespmem:$0x10100] =	vst v63  }
0x6f: {  	v3 =	vld [tilespmem:s21+$0x70];
	_ =	sdelay $0x4  }
0x70: {  	v63 =	vshll.u32 v3, $0x1  }
0x71: {  	v3 =	vand.u32 $0x7, v3;
	v4 =	vand.u32 $0xFFFFFFF0, v63  }
0x72: {  	v3 =	vor.u32 v3, v4  }
0x73: {  	v4 =	vperm.xlane v3, v0;
	_ =	sdelay $0x1  }
0x74: {  	v3 =	vperm.xlane v3, v2;
	v4 =	vadd.s32 v1, v4;
	_ =	sdelay $0x1  }
0x75: {  	v3 =	vadd.s32 v1, v3;
	_ =	sdelay $0x1  }
0x76: {  	s31 =	sor.u32 $0x7100, s20  }
0x77: {  	[tilespmem:s31], [sflag:$0x5] =	stream.indirect_vreg.gather [hbm4b:s1+s3], $0x80, v4, vm0, $0x2000b8;
	[tilespmem:$0x10100] =	vst v63  }
0x78: {  	s20 =	sor.u32 $0x7900, s20  }
0x79: {  	[tilespmem:s20], [sflag:$0x5] =	stream.indirect_vreg.gather [hbm4b:s1+s3], $0x80, v3, vm0, $0x2000b8;
	[tilespmem:$0x10100] =	vst v63  }
0x7a: {  	_ =	swait.ge [sflag:s8], $0x8000  }
0x7b: {  	p2 =	seq.s32 s11, $0x1;
	[sflag:s8] =	ssyncset.done $0x0  }
0x7c: {  	s17 =	sadd.s32 s5, s17;
	p1 =	por p2, p1;
	[sflag:s8] =	ssyncadd.s32 $0xFFFF8000  }
0x7d: {  	s17 =	sshll.u32 @p1 s17, $0xC;
	_ =	strace $0x9000004B  }
0x7e: {  	s17 =	sand.u32 @p1 $0x1FFFF000, s17;
	s21 =	simm.s32 $0x1;
	_ =	strace @p1 $0x8000004C  }
0x7f: {  	s18 =	sadd.s32 @p1 $0x3, s18;
	s21 =	simm.s32 @!p0 $0x0;
	s20 =	rddreg [dreg:$0x4]  }
0x80: {  	p0 =	seq.s32 s11, $0x4;
	s17 =	sadd.s32 @p1 s20, s17;
	s20 =	simm.s32 @p1 $0x0  }
0x81: {  	[hbm4b:s17+s20] =	stream.linear.scatter @p1 [tilespmem:s19], [sflag:s18], $0x8000, $0x200038;
	[tilespmem:$0x10100] =	vst v63  }
0x82: {  	s17 =	simm.s32 $0x1;
	s19 =	simm.s32 $0x1;
	_ =	strace @p1 $0x9000004C  }
0x83: {  	s17 =	simm.s32 @!p1 $0x0;
	p1 =	sne.s32 s11, $0x4;
	s11 =	sadd.s32 $0xFFFFFFFF, s11  }
0x84: {  	s18 =	sand.u32 @!p0 $0x1, s13;
	s19 =	simm.s32 @!p1 $0x0;
	p1 =	sne.s32 s11, $0x0  }
.Ltmp0:
0x85: {  	s18 =	sadd.s32 @!p0 $0x3, s18;
	_ =	strace @!p0 $0x8000004D;
	(pc) =	sbr.rel @p1 .LBB2_2-.Ltmp0, $4  }
0x86: {  	_ =	swait.ge @!p0 [sflag:s18], $0x8000  }
0x87: {  	[sflag:s18] =	ssyncset.done @!p0 $0x0  }
0x88: {  	s16 =	sadd.s32 s21, s16;
	s14 =	sadd.s32 s17, s14;
	[sflag:s18] =	ssyncadd.s32 @!p0 $0xFFFF8000  }
0x89: {  	s15 =	sadd.s32 s17, s15;
	s13 =	sadd.s32 s19, s13;
	_ =	strace @!p0 $0x9000004D  }
0x8a: {  	s10 =	sadd.s32 $0x1, s10  }
0x8b: {  	p0 =	sne.s32 s10, s7  }
.Ltmp1:
0x8c: {  	_ =	strace $0x8000004E;
	(pc) =	sbr.rel @p0 .LBB2_1-.Ltmp1, $4  }
0x8d: {  	_ =	swait.ge [sflag:s9], $0x8000  }
0x8e: {  	[sflag:s9] =	ssyncset.done $0x0  }
0x8f: {  	[sflag:s9] =	ssyncadd.s32 $0xFFFF8000  }
0x90: {  	_ =	strace $0x9000004E  }
0x91: {  	_ =	sfence.sel $0x180000  }
0x92: {  	[bflag:$0x0] =	sbarrier.arrive $0xFFFF  }
0x93: {  	p0 =	sne.s32 s2, $0x0;
	_ =	strace $0x90000047  }
0x94: {  	s0 =	sadd.s32 @!p0 $0x100000, s0;
	[bflag:$0x2] =	sbarrier.arrive $0xFFFF  }
0x95: {  	[sflag:s0] =	ssyncadd.tile.s32 @!p0 $0x1;
	_ =	shalt  }
.Lfunc_end2:
_tile_overlayer_lowered:
.L_overlay_start_2:
0x96: {  	(tag) =	ssettag $0x2  }
0x97: {  	s0 =	rddreg [dreg:$0x0];
	s2 =	stileid.u32  }
0x98: {  	s1 =	rddreg [dreg:$0x1];
	p0 =	sne.s32 s2, $0x0  }
0x99: {  	s3 =	rddreg [dreg:$0x2];
	[bflag:$0x3] =	sbarrier.arrive $0xFFFF;
	s2 =	simm.s32 @!p0 $0x1C01  }
0x9a: {  	[timem:s3], [sflag:s2] =	dma.local @!p0 [hbm:s0], s1  }
0x9b: {  	s0 =	simm.s32 @!p0 $0x1  }
0x9c: {  	_ =	swait.ge @!p0 [sflag:s0], s1  }
0x9d: {  	s1 =	ssub.s32 @!p0 $0x0, s1;
	[sflag:s0] =	ssyncset.done @!p0 $0x0  }
0x9e: {  	[sflag:s0] =	ssyncadd.s32 @!p0 s1  }
0x9f: {  	[bflag:$0x3] =	sbarrier.arrive $0xFFFF  }
0xa0: {  	_ =	shalt  }

</sc_bundles>
